<compile_context>
chip_gen: v7x
topology: tpu7x:2x2x1
jax: 0.10.2.dev20260603
libtpu: 0.0.44.dev20260713+nightly
codegen_flags: <defaults>
</compile_context>

<pallas_src>
import dataclasses
import functools

import jax
import jax.numpy as jnp
from jax import lax
from jax.experimental import pallas as pl
from jax.experimental.pallas import tpu as pltpu
from jax.experimental.pallas import tpu_sc as plsc

NUM_CORES = 2
NUM_SUBCORES = 16
LANES = 16
NW = NUM_CORES * NUM_SUBCORES

BATCH = 16384
FEATURES = 32
BPW = BATCH // NW
GATHER_WINDOW = 128
NWIN = BPW // GATHER_WINDOW
CHUNKS = BPW // LANES


def _mesh():
    return plsc.VectorSubcoreMesh(
        core_axis_name="c",
        subcore_axis_name="s",
        num_cores=NUM_CORES,
        num_subcores=NUM_SUBCORES,
    )


def _compiler_params():
    cp = pltpu.CompilerParams()
    if "needs_layout_passes" in pltpu.CompilerParams.__dataclass_fields__:
        cp = dataclasses.replace(cp, needs_layout_passes=False)
    if "use_tc_tiling_on_sc" in pltpu.CompilerParams.__dataclass_fields__:
        cp = dataclasses.replace(cp, use_tc_tiling_on_sc=False)
    return cp


@functools.partial(
    pl.kernel,
    out_type=jax.ShapeDtypeStruct((BATCH,), jnp.float32),
    mesh=_mesh(),
    compiler_params=_compiler_params(),
    scratch_types=[
        pltpu.VMEM((NWIN, GATHER_WINDOW), jnp.int32),
        pltpu.VMEM((NWIN, GATHER_WINDOW), jnp.int32),
        pltpu.VMEM((BPW, FEATURES), jnp.float32),
        pltpu.VMEM((BPW, FEATURES), jnp.float32),
        pltpu.VMEM((FEATURES, LANES), jnp.float32),
        pltpu.VMEM((BPW,), jnp.float32),
        pltpu.SemaphoreType.DMA,
        pltpu.SemaphoreType.DMA,
    ],
)
def _mf_sc(user_hbm, item_hbm, uemb_hbm, iemb_hbm, w_hbm, out_hbm,
           uidx_v, iidx_v, urows_v, irows_v, w_v, out_v, sem_u, sem_i):
    wid = lax.axis_index("s") * NUM_CORES + lax.axis_index("c")
    base = wid * BPW

    pltpu.sync_copy(user_hbm.at[wid], uidx_v)
    pltpu.sync_copy(item_hbm.at[wid], iidx_v)
    pltpu.sync_copy(w_hbm, w_v)

    copies = []
    for j in range(NWIN):
        copies.append(pltpu.async_copy(
            uemb_hbm.at[uidx_v.at[j]],
            urows_v.at[pl.ds(j * GATHER_WINDOW, GATHER_WINDOW)],
            sem_u,
        ))
        copies.append(pltpu.async_copy(
            iemb_hbm.at[iidx_v.at[j]],
            irows_v.at[pl.ds(j * GATHER_WINDOW, GATHER_WINDOW)],
            sem_i,
        ))
    for c in copies:
        c.wait()

    lane = lax.iota(jnp.int32, LANES)

    @pl.loop(0, CHUNKS)
    def _(c):
        r_ids = c * LANES + lane
        acc = jnp.zeros((LANES,), jnp.float32)
        for f in range(FEATURES):
            f_vec = jnp.full((LANES,), f, jnp.int32)
            u = plsc.load_gather(urows_v, [r_ids, f_vec])
            iv = plsc.load_gather(irows_v, [r_ids, f_vec])
            acc = acc + u * iv * w_v[f, :]
        out_v[pl.ds(c * LANES, LANES)] = acc

    pltpu.sync_copy(out_v, out_hbm.at[pl.ds(base, BPW)])


def kernel(user, item, user_emb, item_emb, W):
    user_w = user.astype(jnp.int32).reshape(NW, NWIN, GATHER_WINDOW)
    item_w = item.astype(jnp.int32).reshape(NW, NWIN, GATHER_WINDOW)
    w_b = jnp.broadcast_to(W.reshape(FEATURES, 1), (FEATURES, LANES))
    return _mf_sc(user_w, item_w, user_emb, item_emb, w_b)

# --- scband reference (transcript-rebuilt; emitter-appended) ---
"""Pipeline reference for scband-neural-mf-19232863552164 (READ-ONLY COPY).

The authoritative reference and input builder live on the scoring server;
editing this copy changes nothing except your own understanding.
"""

import jax, jax.numpy as jnp
import numpy as np

NUM_USERS = 1000000
NUM_ITEMS = 100000
N_FEATURES = 32
BATCH = 16384


def setup_inputs(seed: int = 0) -> dict:
    key = jax.random.key(seed)
    k_user, k_item, k_ue, k_ie, k_w = jax.random.split(key, 5)
    user = jax.random.randint(k_user, (BATCH,), 0, NUM_USERS, dtype=jnp.int64 if jax.config.jax_enable_x64 else jnp.int32)
    item = jax.random.randint(k_item, (BATCH,), 0, NUM_ITEMS, dtype=jnp.int64 if jax.config.jax_enable_x64 else jnp.int32)
    user_emb = jax.random.normal(k_ue, (NUM_USERS, N_FEATURES), dtype=jnp.float32) * 0.01
    item_emb = jax.random.normal(k_ie, (NUM_ITEMS, N_FEATURES), dtype=jnp.float32) * 0.01
    # xavier_uniform for Linear(n_features, 1, bias=False): bound = sqrt(6/(fan_in+fan_out))
    bound = float(np.sqrt(6.0 / (N_FEATURES + 1)))
    W = jax.random.uniform(k_w, (1, N_FEATURES), dtype=jnp.float32, minval=-bound, maxval=bound)
    return {"user": user, "item": item, "user_emb": user_emb, "item_emb": item_emb, "W": W}


def reference(user, item, user_emb, item_emb, W):
    ue = jnp.take(user_emb, user, axis=0)          # [B, F] gather
    ie = jnp.take(item_emb, item, axis=0)          # [B, F] gather
    interaction = ue * ie                           # [B, F]
    output = interaction @ W.T                      # [B, 1]
    return output.reshape(-1)                       # [B]

if __name__ == "__main__":
    import jax
    _d = setup_inputs()
    print(jax.jit(kernel)(*tuple(_d.values())))

</pallas_src>

<mosaic_0001>
#map = affine_map<(d0, d1) -> (0, 0, 0)>
#map1 = affine_map<(d0, d1) -> (0, 0)>
#map2 = affine_map<(d0, d1) -> (0)>
module attributes {stable_mosaic.version = 14 : i64} {
  func.func @_mf_sc(%arg0: i32, %arg1: i32, %arg2: memref<32x4x128xi32, #tpu.memory_space<hbm>>, %arg3: memref<32x4x128xi32, #tpu.memory_space<hbm>>, %arg4: memref<1000000x32xf32, #tpu.memory_space<hbm>>, %arg5: memref<100000x32xf32, #tpu.memory_space<hbm>>, %arg6: memref<32x16xf32, #tpu.memory_space<hbm>>, %arg7: memref<16384xf32, #tpu.memory_space<hbm>>, %arg8: memref<4x128xi32, #tpu.memory_space<vmem>>, %arg9: memref<4x128xi32, #tpu.memory_space<vmem>>, %arg10: memref<512x32xf32, #tpu.memory_space<vmem>>, %arg11: memref<512x32xf32, #tpu.memory_space<vmem>>, %arg12: memref<32x16xf32, #tpu.memory_space<vmem>>, %arg13: memref<512xf32, #tpu.memory_space<vmem>>, %arg14: memref<!tpu.dma_semaphore, #tpu.memory_space<semaphore_mem>>, %arg15: memref<!tpu.dma_semaphore, #tpu.memory_space<semaphore_mem>>) attributes {dimension_semantics = [#tpu.dimension_semantics<core_parallel>, #tpu.dimension_semantics<subcore_parallel>], iteration_bounds = array<i64: 2, 16>, scalar_prefetch = 0 : i64, scratch_operands = 8 : i64, tpu.core_type = #tpu.core_type<sc_vector_subcore>, window_params = [{transform_indices = #map}, {transform_indices = #map}, {transform_indices = #map1}, {transform_indices = #map1}, {transform_indices = #map1}, {transform_indices = #map2}]} {
    %mul3A = arith.constant 2 : i32
    %mul3A_0 = arith.muli %arg1, %mul3A : i32
    %add3A = arith.addi %mul3A_0, %arg0 : i32
    %mul3A_1 = arith.constant 512 : i32
    %mul3A_2 = arith.muli %add3A, %mul3A_1 : i32
    "tpu.region"() ({
      %run_scoped3A = tpu.sem_alloc : memref<!tpu.dma_semaphore, #tpu.memory_space<semaphore_mem>>
      %dma_start3A_165 = arith.constant 0 : i32
      %dma_start3A_166 = arith.constant 0 : i32
      %dma_start3A_167 = tpu.memref_slice %arg2[%add3A, %dma_start3A_165, %dma_start3A_166] : memref<32x4x128xi32, #tpu.memory_space<hbm>> -> memref<1x4x128xi32, #tpu.memory_space<hbm>>
      %dma_start3A_168 = tpu.memref_squeeze %dma_start3A_167 : memref<1x4x128xi32, #tpu.memory_space<hbm>> -> memref<4x128xi32, #tpu.memory_space<hbm>>
      %dma_start3A_169 = arith.constant 0 : i32
      %dma_start3A_170 = arith.constant 0 : i32
      %dma_start3A_171 = tpu.memref_slice %arg2[%add3A, %dma_start3A_169, %dma_start3A_170] : memref<32x4x128xi32, #tpu.memory_space<hbm>> -> memref<1x4x128xi32, #tpu.memory_space<hbm>>
      %dma_start3A_172 = tpu.memref_squeeze %dma_start3A_171 : memref<1x4x128xi32, #tpu.memory_space<hbm>> -> memref<4x128xi32, #tpu.memory_space<hbm>>
      tpu.enqueue_dma source(%dma_start3A_172 : memref<4x128xi32, #tpu.memory_space<hbm>>) target(%arg8 : memref<4x128xi32, #tpu.memory_space<vmem>>) target_semaphore(%run_scoped3A : memref<!tpu.dma_semaphore, #tpu.memory_space<semaphore_mem>>)
      %dma_wait3A_173 = arith.constant 0 : i32
      %dma_wait3A_174 = arith.constant 0 : i32
      %dma_wait3A_175 = tpu.memref_slice %arg2[%add3A, %dma_wait3A_173, %dma_wait3A_174] : memref<32x4x128xi32, #tpu.memory_space<hbm>> -> memref<1x4x128xi32, #tpu.memory_space<hbm>>
      %dma_wait3A_176 = tpu.memref_squeeze %dma_wait3A_175 : memref<1x4x128xi32, #tpu.memory_space<hbm>> -> memref<4x128xi32, #tpu.memory_space<hbm>>
      %dma_wait3A_177 = arith.constant 0 : i32
      %dma_wait3A_178 = arith.constant 0 : i32
      %dma_wait3A_179 = tpu.memref_slice %arg2[%add3A, %dma_wait3A_177, %dma_wait3A_178] : memref<32x4x128xi32, #tpu.memory_space<hbm>> -> memref<1x4x128xi32, #tpu.memory_space<hbm>>
      %dma_wait3A_180 = tpu.memref_squeeze %dma_wait3A_179 : memref<1x4x128xi32, #tpu.memory_space<hbm>> -> memref<4x128xi32, #tpu.memory_space<hbm>>
      tpu.wait_dma2 semaphore(%run_scoped3A : memref<!tpu.dma_semaphore, #tpu.memory_space<semaphore_mem>>) src(%dma_wait3A_180 : memref<4x128xi32, #tpu.memory_space<hbm>>) dst(%arg8 : memref<4x128xi32, #tpu.memory_space<vmem>>)
      tpu.yield
    }) : () -> ()
    "tpu.region"() ({
      %run_scoped3A = tpu.sem_alloc : memref<!tpu.dma_semaphore, #tpu.memory_space<semaphore_mem>>
      %dma_start3A_165 = arith.constant 0 : i32
      %dma_start3A_166 = arith.constant 0 : i32
      %dma_start3A_167 = tpu.memref_slice %arg3[%add3A, %dma_start3A_165, %dma_start3A_166] : memref<32x4x128xi32, #tpu.memory_space<hbm>> -> memref<1x4x128xi32, #tpu.memory_space<hbm>>
      %dma_start3A_168 = tpu.memref_squeeze %dma_start3A_167 : memref<1x4x128xi32, #tpu.memory_space<hbm>> -> memref<4x128xi32, #tpu.memory_space<hbm>>
      %dma_start3A_169 = arith.constant 0 : i32
      %dma_start3A_170 = arith.constant 0 : i32
      %dma_start3A_171 = tpu.memref_slice %arg3[%add3A, %dma_start3A_169, %dma_start3A_170] : memref<32x4x128xi32, #tpu.memory_space<hbm>> -> memref<1x4x128xi32, #tpu.memory_space<hbm>>
      %dma_start3A_172 = tpu.memref_squeeze %dma_start3A_171 : memref<1x4x128xi32, #tpu.memory_space<hbm>> -> memref<4x128xi32, #tpu.memory_space<hbm>>
      tpu.enqueue_dma source(%dma_start3A_172 : memref<4x128xi32, #tpu.memory_space<hbm>>) target(%arg9 : memref<4x128xi32, #tpu.memory_space<vmem>>) target_semaphore(%run_scoped3A : memref<!tpu.dma_semaphore, #tpu.memory_space<semaphore_mem>>)
      %dma_wait3A_173 = arith.constant 0 : i32
      %dma_wait3A_174 = arith.constant 0 : i32
      %dma_wait3A_175 = tpu.memref_slice %arg3[%add3A, %dma_wait3A_173, %dma_wait3A_174] : memref<32x4x128xi32, #tpu.memory_space<hbm>> -> memref<1x4x128xi32, #tpu.memory_space<hbm>>
      %dma_wait3A_176 = tpu.memref_squeeze %dma_wait3A_175 : memref<1x4x128xi32, #tpu.memory_space<hbm>> -> memref<4x128xi32, #tpu.memory_space<hbm>>
      %dma_wait3A_177 = arith.constant 0 : i32
      %dma_wait3A_178 = arith.constant 0 : i32
      %dma_wait3A_179 = tpu.memref_slice %arg3[%add3A, %dma_wait3A_177, %dma_wait3A_178] : memref<32x4x128xi32, #tpu.memory_space<hbm>> -> memref<1x4x128xi32, #tpu.memory_space<hbm>>
      %dma_wait3A_180 = tpu.memref_squeeze %dma_wait3A_179 : memref<1x4x128xi32, #tpu.memory_space<hbm>> -> memref<4x128xi32, #tpu.memory_space<hbm>>
      tpu.wait_dma2 semaphore(%run_scoped3A : memref<!tpu.dma_semaphore, #tpu.memory_space<semaphore_mem>>) src(%dma_wait3A_180 : memref<4x128xi32, #tpu.memory_space<hbm>>) dst(%arg9 : memref<4x128xi32, #tpu.memory_space<vmem>>)
      tpu.yield
    }) : () -> ()
    "tpu.region"() ({
      %run_scoped3A = tpu.sem_alloc : memref<!tpu.dma_semaphore, #tpu.memory_space<semaphore_mem>>
      tpu.enqueue_dma source(%arg6 : memref<32x16xf32, #tpu.memory_space<hbm>>) target(%arg12 : memref<32x16xf32, #tpu.memory_space<vmem>>) target_semaphore(%run_scoped3A : memref<!tpu.dma_semaphore, #tpu.memory_space<semaphore_mem>>)
      tpu.wait_dma2 semaphore(%run_scoped3A : memref<!tpu.dma_semaphore, #tpu.memory_space<semaphore_mem>>) src(%arg6 : memref<32x16xf32, #tpu.memory_space<hbm>>) dst(%arg12 : memref<32x16xf32, #tpu.memory_space<vmem>>)
      tpu.yield
    }) : () -> ()
    %dma_start3A = arith.constant 0 : i32
    %dma_start3A_3 = arith.constant 0 : i32
    %dma_start3A_4 = arith.constant 0 : i32
    %dma_start3A_5 = tpu.memref_slice %arg10[%dma_start3A_3, %dma_start3A_4] : memref<512x32xf32, #tpu.memory_space<vmem>> -> memref<128x32xf32, #tpu.memory_space<vmem>>
    %dma_start3A_6 = arith.constant 0 : i32
    %dma_start3A_7 = tpu.memref_slice %arg8[%dma_start3A, %dma_start3A_6] : memref<4x128xi32, #tpu.memory_space<vmem>> -> memref<1x128xi32, #tpu.memory_space<vmem>>
    %dma_start3A_8 = tpu.memref_squeeze %dma_start3A_7 : memref<1x128xi32, #tpu.memory_space<vmem>> -> memref<128xi32, #tpu.memory_space<vmem>>
    %dma_start3A_9 = arith.constant 0 : i32
    %dma_start3A_10 = arith.constant 0 : i32
    %dma_start3A_11 = tpu.memref_slice %arg4[%dma_start3A_9, %dma_start3A_10] : memref<1000000x32xf32, #tpu.memory_space<hbm>> -> memref<1000000x32xf32, #tpu.memory_space<hbm>>
    tpu.enqueue_indirect_dma source(%dma_start3A_11 : memref<1000000x32xf32, #tpu.memory_space<hbm>>) target(%dma_start3A_5 : memref<128x32xf32, #tpu.memory_space<vmem>>) offsets(%dma_start3A_8 : memref<128xi32, #tpu.memory_space<vmem>>) semaphore(%arg14 : memref<!tpu.dma_semaphore, #tpu.memory_space<semaphore_mem>>)
    %dma_start3A_12 = arith.constant 0 : i32
    %dma_start3A_13 = arith.constant 0 : i32
    %dma_start3A_14 = arith.constant 0 : i32
    %dma_start3A_15 = tpu.memref_slice %arg11[%dma_start3A_13, %dma_start3A_14] : memref<512x32xf32, #tpu.memory_space<vmem>> -> memref<128x32xf32, #tpu.memory_space<vmem>>
    %dma_start3A_16 = arith.constant 0 : i32
    %dma_start3A_17 = tpu.memref_slice %arg9[%dma_start3A_12, %dma_start3A_16] : memref<4x128xi32, #tpu.memory_space<vmem>> -> memref<1x128xi32, #tpu.memory_space<vmem>>
    %dma_start3A_18 = tpu.memref_squeeze %dma_start3A_17 : memref<1x128xi32, #tpu.memory_space<vmem>> -> memref<128xi32, #tpu.memory_space<vmem>>
    %dma_start3A_19 = arith.constant 0 : i32
    %dma_start3A_20 = arith.constant 0 : i32
    %dma_start3A_21 = tpu.memref_slice %arg5[%dma_start3A_19, %dma_start3A_20] : memref<100000x32xf32, #tpu.memory_space<hbm>> -> memref<100000x32xf32, #tpu.memory_space<hbm>>
    tpu.enqueue_indirect_dma source(%dma_start3A_21 : memref<100000x32xf32, #tpu.memory_space<hbm>>) target(%dma_start3A_15 : memref<128x32xf32, #tpu.memory_space<vmem>>) offsets(%dma_start3A_18 : memref<128xi32, #tpu.memory_space<vmem>>) semaphore(%arg15 : memref<!tpu.dma_semaphore, #tpu.memory_space<semaphore_mem>>)
    %dma_start3A_22 = arith.constant 1 : i32
    %dma_start3A_23 = arith.constant 128 : i32
    %dma_start3A_24 = arith.constant 0 : i32
    %dma_start3A_25 = tpu.memref_slice %arg10[%dma_start3A_23, %dma_start3A_24] : memref<512x32xf32, #tpu.memory_space<vmem>> -> memref<128x32xf32, #tpu.memory_space<vmem>>
    %dma_start3A_26 = arith.constant 0 : i32
    %dma_start3A_27 = tpu.memref_slice %arg8[%dma_start3A_22, %dma_start3A_26] : memref<4x128xi32, #tpu.memory_space<vmem>> -> memref<1x128xi32, #tpu.memory_space<vmem>>
    %dma_start3A_28 = tpu.memref_squeeze %dma_start3A_27 : memref<1x128xi32, #tpu.memory_space<vmem>> -> memref<128xi32, #tpu.memory_space<vmem>>
    %dma_start3A_29 = arith.constant 0 : i32
    %dma_start3A_30 = arith.constant 0 : i32
    %dma_start3A_31 = tpu.memref_slice %arg4[%dma_start3A_29, %dma_start3A_30] : memref<1000000x32xf32, #tpu.memory_space<hbm>> -> memref<1000000x32xf32, #tpu.memory_space<hbm>>
    tpu.enqueue_indirect_dma source(%dma_start3A_31 : memref<1000000x32xf32, #tpu.memory_space<hbm>>) target(%dma_start3A_25 : memref<128x32xf32, #tpu.memory_space<vmem>>) offsets(%dma_start3A_28 : memref<128xi32, #tpu.memory_space<vmem>>) semaphore(%arg14 : memref<!tpu.dma_semaphore, #tpu.memory_space<semaphore_mem>>)
    %dma_start3A_32 = arith.constant 1 : i32
    %dma_start3A_33 = arith.constant 128 : i32
    %dma_start3A_34 = arith.constant 0 : i32
    %dma_start3A_35 = tpu.memref_slice %arg11[%dma_start3A_33, %dma_start3A_34] : memref<512x32xf32, #tpu.memory_space<vmem>> -> memref<128x32xf32, #tpu.memory_space<vmem>>
    %dma_start3A_36 = arith.constant 0 : i32
    %dma_start3A_37 = tpu.memref_slice %arg9[%dma_start3A_32, %dma_start3A_36] : memref<4x128xi32, #tpu.memory_space<vmem>> -> memref<1x128xi32, #tpu.memory_space<vmem>>
    %dma_start3A_38 = tpu.memref_squeeze %dma_start3A_37 : memref<1x128xi32, #tpu.memory_space<vmem>> -> memref<128xi32, #tpu.memory_space<vmem>>
    %dma_start3A_39 = arith.constant 0 : i32
    %dma_start3A_40 = arith.constant 0 : i32
    %dma_start3A_41 = tpu.memref_slice %arg5[%dma_start3A_39, %dma_start3A_40] : memref<100000x32xf32, #tpu.memory_space<hbm>> -> memref<100000x32xf32, #tpu.memory_space<hbm>>
    tpu.enqueue_indirect_dma source(%dma_start3A_41 : memref<100000x32xf32, #tpu.memory_space<hbm>>) target(%dma_start3A_35 : memref<128x32xf32, #tpu.memory_space<vmem>>) offsets(%dma_start3A_38 : memref<128xi32, #tpu.memory_space<vmem>>) semaphore(%arg15 : memref<!tpu.dma_semaphore, #tpu.memory_space<semaphore_mem>>)
    %dma_start3A_42 = arith.constant 2 : i32
    %dma_start3A_43 = arith.constant 256 : i32
    %dma_start3A_44 = arith.constant 0 : i32
    %dma_start3A_45 = tpu.memref_slice %arg10[%dma_start3A_43, %dma_start3A_44] : memref<512x32xf32, #tpu.memory_space<vmem>> -> memref<128x32xf32, #tpu.memory_space<vmem>>
    %dma_start3A_46 = arith.constant 0 : i32
    %dma_start3A_47 = tpu.memref_slice %arg8[%dma_start3A_42, %dma_start3A_46] : memref<4x128xi32, #tpu.memory_space<vmem>> -> memref<1x128xi32, #tpu.memory_space<vmem>>
    %dma_start3A_48 = tpu.memref_squeeze %dma_start3A_47 : memref<1x128xi32, #tpu.memory_space<vmem>> -> memref<128xi32, #tpu.memory_space<vmem>>
    %dma_start3A_49 = arith.constant 0 : i32
    %dma_start3A_50 = arith.constant 0 : i32
    %dma_start3A_51 = tpu.memref_slice %arg4[%dma_start3A_49, %dma_start3A_50] : memref<1000000x32xf32, #tpu.memory_space<hbm>> -> memref<1000000x32xf32, #tpu.memory_space<hbm>>
    tpu.enqueue_indirect_dma source(%dma_start3A_51 : memref<1000000x32xf32, #tpu.memory_space<hbm>>) target(%dma_start3A_45 : memref<128x32xf32, #tpu.memory_space<vmem>>) offsets(%dma_start3A_48 : memref<128xi32, #tpu.memory_space<vmem>>) semaphore(%arg14 : memref<!tpu.dma_semaphore, #tpu.memory_space<semaphore_mem>>)
    %dma_start3A_52 = arith.constant 2 : i32
    %dma_start3A_53 = arith.constant 256 : i32
    %dma_start3A_54 = arith.constant 0 : i32
    %dma_start3A_55 = tpu.memref_slice %arg11[%dma_start3A_53, %dma_start3A_54] : memref<512x32xf32, #tpu.memory_space<vmem>> -> memref<128x32xf32, #tpu.memory_space<vmem>>
    %dma_start3A_56 = arith.constant 0 : i32
    %dma_start3A_57 = tpu.memref_slice %arg9[%dma_start3A_52, %dma_start3A_56] : memref<4x128xi32, #tpu.memory_space<vmem>> -> memref<1x128xi32, #tpu.memory_space<vmem>>
    %dma_start3A_58 = tpu.memref_squeeze %dma_start3A_57 : memref<1x128xi32, #tpu.memory_space<vmem>> -> memref<128xi32, #tpu.memory_space<vmem>>
    %dma_start3A_59 = arith.constant 0 : i32
    %dma_start3A_60 = arith.constant 0 : i32
    %dma_start3A_61 = tpu.memref_slice %arg5[%dma_start3A_59, %dma_start3A_60] : memref<100000x32xf32, #tpu.memory_space<hbm>> -> memref<100000x32xf32, #tpu.memory_space<hbm>>
    tpu.enqueue_indirect_dma source(%dma_start3A_61 : memref<100000x32xf32, #tpu.memory_space<hbm>>) target(%dma_start3A_55 : memref<128x32xf32, #tpu.memory_space<vmem>>) offsets(%dma_start3A_58 : memref<128xi32, #tpu.memory_space<vmem>>) semaphore(%arg15 : memref<!tpu.dma_semaphore, #tpu.memory_space<semaphore_mem>>)
    %dma_start3A_62 = arith.constant 3 : i32
    %dma_start3A_63 = arith.constant 384 : i32
    %dma_start3A_64 = arith.constant 0 : i32
    %dma_start3A_65 = tpu.memref_slice %arg10[%dma_start3A_63, %dma_start3A_64] : memref<512x32xf32, #tpu.memory_space<vmem>> -> memref<128x32xf32, #tpu.memory_space<vmem>>
    %dma_start3A_66 = arith.constant 0 : i32
    %dma_start3A_67 = tpu.memref_slice %arg8[%dma_start3A_62, %dma_start3A_66] : memref<4x128xi32, #tpu.memory_space<vmem>> -> memref<1x128xi32, #tpu.memory_space<vmem>>
    %dma_start3A_68 = tpu.memref_squeeze %dma_start3A_67 : memref<1x128xi32, #tpu.memory_space<vmem>> -> memref<128xi32, #tpu.memory_space<vmem>>
    %dma_start3A_69 = arith.constant 0 : i32
    %dma_start3A_70 = arith.constant 0 : i32
    %dma_start3A_71 = tpu.memref_slice %arg4[%dma_start3A_69, %dma_start3A_70] : memref<1000000x32xf32, #tpu.memory_space<hbm>> -> memref<1000000x32xf32, #tpu.memory_space<hbm>>
    tpu.enqueue_indirect_dma source(%dma_start3A_71 : memref<1000000x32xf32, #tpu.memory_space<hbm>>) target(%dma_start3A_65 : memref<128x32xf32, #tpu.memory_space<vmem>>) offsets(%dma_start3A_68 : memref<128xi32, #tpu.memory_space<vmem>>) semaphore(%arg14 : memref<!tpu.dma_semaphore, #tpu.memory_space<semaphore_mem>>)
    %dma_start3A_72 = arith.constant 3 : i32
    %dma_start3A_73 = arith.constant 384 : i32
    %dma_start3A_74 = arith.constant 0 : i32
    %dma_start3A_75 = tpu.memref_slice %arg11[%dma_start3A_73, %dma_start3A_74] : memref<512x32xf32, #tpu.memory_space<vmem>> -> memref<128x32xf32, #tpu.memory_space<vmem>>
    %dma_start3A_76 = arith.constant 0 : i32
    %dma_start3A_77 = tpu.memref_slice %arg9[%dma_start3A_72, %dma_start3A_76] : memref<4x128xi32, #tpu.memory_space<vmem>> -> memref<1x128xi32, #tpu.memory_space<vmem>>
    %dma_start3A_78 = tpu.memref_squeeze %dma_start3A_77 : memref<1x128xi32, #tpu.memory_space<vmem>> -> memref<128xi32, #tpu.memory_space<vmem>>
    %dma_start3A_79 = arith.constant 0 : i32
    %dma_start3A_80 = arith.constant 0 : i32
    %dma_start3A_81 = tpu.memref_slice %arg5[%dma_start3A_79, %dma_start3A_80] : memref<100000x32xf32, #tpu.memory_space<hbm>> -> memref<100000x32xf32, #tpu.memory_space<hbm>>
    tpu.enqueue_indirect_dma source(%dma_start3A_81 : memref<100000x32xf32, #tpu.memory_space<hbm>>) target(%dma_start3A_75 : memref<128x32xf32, #tpu.memory_space<vmem>>) offsets(%dma_start3A_78 : memref<128xi32, #tpu.memory_space<vmem>>) semaphore(%arg15 : memref<!tpu.dma_semaphore, #tpu.memory_space<semaphore_mem>>)
    %dma_wait3A = arith.constant 0 : i32
    %dma_wait3A_82 = arith.constant 0 : i32
    %dma_wait3A_83 = arith.constant 0 : i32
    %dma_wait3A_84 = tpu.memref_slice %arg10[%dma_wait3A_82, %dma_wait3A_83] : memref<512x32xf32, #tpu.memory_space<vmem>> -> memref<128x32xf32, #tpu.memory_space<vmem>>
    %dma_wait3A_85 = arith.constant 0 : i32
    %dma_wait3A_86 = tpu.memref_slice %arg8[%dma_wait3A, %dma_wait3A_85] : memref<4x128xi32, #tpu.memory_space<vmem>> -> memref<1x128xi32, #tpu.memory_space<vmem>>
    %dma_wait3A_87 = tpu.memref_squeeze %dma_wait3A_86 : memref<1x128xi32, #tpu.memory_space<vmem>> -> memref<128xi32, #tpu.memory_space<vmem>>
    %dma_wait3A_88 = arith.constant 0 : i32
    %dma_wait3A_89 = arith.constant 0 : i32
    %dma_wait3A_90 = tpu.memref_slice %arg4[%dma_wait3A_88, %dma_wait3A_89] : memref<1000000x32xf32, #tpu.memory_space<hbm>> -> memref<1000000x32xf32, #tpu.memory_space<hbm>>
    tpu.wait_indirect_dma semaphore(%arg14 : memref<!tpu.dma_semaphore, #tpu.memory_space<semaphore_mem>>) src(%dma_wait3A_90 : memref<1000000x32xf32, #tpu.memory_space<hbm>>) dst(%dma_wait3A_84 : memref<128x32xf32, #tpu.memory_space<vmem>>)
    %dma_wait3A_91 = arith.constant 0 : i32
    %dma_wait3A_92 = arith.constant 0 : i32
    %dma_wait3A_93 = arith.constant 0 : i32
    %dma_wait3A_94 = tpu.memref_slice %arg11[%dma_wait3A_92, %dma_wait3A_93] : memref<512x32xf32, #tpu.memory_space<vmem>> -> memref<128x32xf32, #tpu.memory_space<vmem>>
    %dma_wait3A_95 = arith.constant 0 : i32
    %dma_wait3A_96 = tpu.memref_slice %arg9[%dma_wait3A_91, %dma_wait3A_95] : memref<4x128xi32, #tpu.memory_space<vmem>> -> memref<1x128xi32, #tpu.memory_space<vmem>>
    %dma_wait3A_97 = tpu.memref_squeeze %dma_wait3A_96 : memref<1x128xi32, #tpu.memory_space<vmem>> -> memref<128xi32, #tpu.memory_space<vmem>>
    %dma_wait3A_98 = arith.constant 0 : i32
    %dma_wait3A_99 = arith.constant 0 : i32
    %dma_wait3A_100 = tpu.memref_slice %arg5[%dma_wait3A_98, %dma_wait3A_99] : memref<100000x32xf32, #tpu.memory_space<hbm>> -> memref<100000x32xf32, #tpu.memory_space<hbm>>
    tpu.wait_indirect_dma semaphore(%arg15 : memref<!tpu.dma_semaphore, #tpu.memory_space<semaphore_mem>>) src(%dma_wait3A_100 : memref<100000x32xf32, #tpu.memory_space<hbm>>) dst(%dma_wait3A_94 : memref<128x32xf32, #tpu.memory_space<vmem>>)
    %dma_wait3A_101 = arith.constant 1 : i32
    %dma_wait3A_102 = arith.constant 128 : i32
    %dma_wait3A_103 = arith.constant 0 : i32
    %dma_wait3A_104 = tpu.memref_slice %arg10[%dma_wait3A_102, %dma_wait3A_103] : memref<512x32xf32, #tpu.memory_space<vmem>> -> memref<128x32xf32, #tpu.memory_space<vmem>>
    %dma_wait3A_105 = arith.constant 0 : i32
    %dma_wait3A_106 = tpu.memref_slice %arg8[%dma_wait3A_101, %dma_wait3A_105] : memref<4x128xi32, #tpu.memory_space<vmem>> -> memref<1x128xi32, #tpu.memory_space<vmem>>
    %dma_wait3A_107 = tpu.memref_squeeze %dma_wait3A_106 : memref<1x128xi32, #tpu.memory_space<vmem>> -> memref<128xi32, #tpu.memory_space<vmem>>
    %dma_wait3A_108 = arith.constant 0 : i32
    %dma_wait3A_109 = arith.constant 0 : i32
    %dma_wait3A_110 = tpu.memref_slice %arg4[%dma_wait3A_108, %dma_wait3A_109] : memref<1000000x32xf32, #tpu.memory_space<hbm>> -> memref<1000000x32xf32, #tpu.memory_space<hbm>>
    tpu.wait_indirect_dma semaphore(%arg14 : memref<!tpu.dma_semaphore, #tpu.memory_space<semaphore_mem>>) src(%dma_wait3A_110 : memref<1000000x32xf32, #tpu.memory_space<hbm>>) dst(%dma_wait3A_104 : memref<128x32xf32, #tpu.memory_space<vmem>>)
    %dma_wait3A_111 = arith.constant 1 : i32
    %dma_wait3A_112 = arith.constant 128 : i32
    %dma_wait3A_113 = arith.constant 0 : i32
    %dma_wait3A_114 = tpu.memref_slice %arg11[%dma_wait3A_112, %dma_wait3A_113] : memref<512x32xf32, #tpu.memory_space<vmem>> -> memref<128x32xf32, #tpu.memory_space<vmem>>
    %dma_wait3A_115 = arith.constant 0 : i32
    %dma_wait3A_116 = tpu.memref_slice %arg9[%dma_wait3A_111, %dma_wait3A_115] : memref<4x128xi32, #tpu.memory_space<vmem>> -> memref<1x128xi32, #tpu.memory_space<vmem>>
    %dma_wait3A_117 = tpu.memref_squeeze %dma_wait3A_116 : memref<1x128xi32, #tpu.memory_space<vmem>> -> memref<128xi32, #tpu.memory_space<vmem>>
    %dma_wait3A_118 = arith.constant 0 : i32
    %dma_wait3A_119 = arith.constant 0 : i32
    %dma_wait3A_120 = tpu.memref_slice %arg5[%dma_wait3A_118, %dma_wait3A_119] : memref<100000x32xf32, #tpu.memory_space<hbm>> -> memref<100000x32xf32, #tpu.memory_space<hbm>>
    tpu.wait_indirect_dma semaphore(%arg15 : memref<!tpu.dma_semaphore, #tpu.memory_space<semaphore_mem>>) src(%dma_wait3A_120 : memref<100000x32xf32, #tpu.memory_space<hbm>>) dst(%dma_wait3A_114 : memref<128x32xf32, #tpu.memory_space<vmem>>)
    %dma_wait3A_121 = arith.constant 2 : i32
    %dma_wait3A_122 = arith.constant 256 : i32
    %dma_wait3A_123 = arith.constant 0 : i32
    %dma_wait3A_124 = tpu.memref_slice %arg10[%dma_wait3A_122, %dma_wait3A_123] : memref<512x32xf32, #tpu.memory_space<vmem>> -> memref<128x32xf32, #tpu.memory_space<vmem>>
    %dma_wait3A_125 = arith.constant 0 : i32
    %dma_wait3A_126 = tpu.memref_slice %arg8[%dma_wait3A_121, %dma_wait3A_125] : memref<4x128xi32, #tpu.memory_space<vmem>> -> memref<1x128xi32, #tpu.memory_space<vmem>>
    %dma_wait3A_127 = tpu.memref_squeeze %dma_wait3A_126 : memref<1x128xi32, #tpu.memory_space<vmem>> -> memref<128xi32, #tpu.memory_space<vmem>>
    %dma_wait3A_128 = arith.constant 0 : i32
    %dma_wait3A_129 = arith.constant 0 : i32
    %dma_wait3A_130 = tpu.memref_slice %arg4[%dma_wait3A_128, %dma_wait3A_129] : memref<1000000x32xf32, #tpu.memory_space<hbm>> -> memref<1000000x32xf32, #tpu.memory_space<hbm>>
    tpu.wait_indirect_dma semaphore(%arg14 : memref<!tpu.dma_semaphore, #tpu.memory_space<semaphore_mem>>) src(%dma_wait3A_130 : memref<1000000x32xf32, #tpu.memory_space<hbm>>) dst(%dma_wait3A_124 : memref<128x32xf32, #tpu.memory_space<vmem>>)
    %dma_wait3A_131 = arith.constant 2 : i32
    %dma_wait3A_132 = arith.constant 256 : i32
    %dma_wait3A_133 = arith.constant 0 : i32
    %dma_wait3A_134 = tpu.memref_slice %arg11[%dma_wait3A_132, %dma_wait3A_133] : memref<512x32xf32, #tpu.memory_space<vmem>> -> memref<128x32xf32, #tpu.memory_space<vmem>>
    %dma_wait3A_135 = arith.constant 0 : i32
    %dma_wait3A_136 = tpu.memref_slice %arg9[%dma_wait3A_131, %dma_wait3A_135] : memref<4x128xi32, #tpu.memory_space<vmem>> -> memref<1x128xi32, #tpu.memory_space<vmem>>
    %dma_wait3A_137 = tpu.memref_squeeze %dma_wait3A_136 : memref<1x128xi32, #tpu.memory_space<vmem>> -> memref<128xi32, #tpu.memory_space<vmem>>
    %dma_wait3A_138 = arith.constant 0 : i32
    %dma_wait3A_139 = arith.constant 0 : i32
    %dma_wait3A_140 = tpu.memref_slice %arg5[%dma_wait3A_138, %dma_wait3A_139] : memref<100000x32xf32, #tpu.memory_space<hbm>> -> memref<100000x32xf32, #tpu.memory_space<hbm>>
    tpu.wait_indirect_dma semaphore(%arg15 : memref<!tpu.dma_semaphore, #tpu.memory_space<semaphore_mem>>) src(%dma_wait3A_140 : memref<100000x32xf32, #tpu.memory_space<hbm>>) dst(%dma_wait3A_134 : memref<128x32xf32, #tpu.memory_space<vmem>>)
    %dma_wait3A_141 = arith.constant 3 : i32
    %dma_wait3A_142 = arith.constant 384 : i32
    %dma_wait3A_143 = arith.constant 0 : i32
    %dma_wait3A_144 = tpu.memref_slice %arg10[%dma_wait3A_142, %dma_wait3A_143] : memref<512x32xf32, #tpu.memory_space<vmem>> -> memref<128x32xf32, #tpu.memory_space<vmem>>
    %dma_wait3A_145 = arith.constant 0 : i32
    %dma_wait3A_146 = tpu.memref_slice %arg8[%dma_wait3A_141, %dma_wait3A_145] : memref<4x128xi32, #tpu.memory_space<vmem>> -> memref<1x128xi32, #tpu.memory_space<vmem>>
    %dma_wait3A_147 = tpu.memref_squeeze %dma_wait3A_146 : memref<1x128xi32, #tpu.memory_space<vmem>> -> memref<128xi32, #tpu.memory_space<vmem>>
    %dma_wait3A_148 = arith.constant 0 : i32
    %dma_wait3A_149 = arith.constant 0 : i32
    %dma_wait3A_150 = tpu.memref_slice %arg4[%dma_wait3A_148, %dma_wait3A_149] : memref<1000000x32xf32, #tpu.memory_space<hbm>> -> memref<1000000x32xf32, #tpu.memory_space<hbm>>
    tpu.wait_indirect_dma semaphore(%arg14 : memref<!tpu.dma_semaphore, #tpu.memory_space<semaphore_mem>>) src(%dma_wait3A_150 : memref<1000000x32xf32, #tpu.memory_space<hbm>>) dst(%dma_wait3A_144 : memref<128x32xf32, #tpu.memory_space<vmem>>)
    %dma_wait3A_151 = arith.constant 3 : i32
    %dma_wait3A_152 = arith.constant 384 : i32
    %dma_wait3A_153 = arith.constant 0 : i32
    %dma_wait3A_154 = tpu.memref_slice %arg11[%dma_wait3A_152, %dma_wait3A_153] : memref<512x32xf32, #tpu.memory_space<vmem>> -> memref<128x32xf32, #tpu.memory_space<vmem>>
    %dma_wait3A_155 = arith.constant 0 : i32
    %dma_wait3A_156 = tpu.memref_slice %arg9[%dma_wait3A_151, %dma_wait3A_155] : memref<4x128xi32, #tpu.memory_space<vmem>> -> memref<1x128xi32, #tpu.memory_space<vmem>>
    %dma_wait3A_157 = tpu.memref_squeeze %dma_wait3A_156 : memref<1x128xi32, #tpu.memory_space<vmem>> -> memref<128xi32, #tpu.memory_space<vmem>>
    %dma_wait3A_158 = arith.constant 0 : i32
    %dma_wait3A_159 = arith.constant 0 : i32
    %dma_wait3A_160 = tpu.memref_slice %arg5[%dma_wait3A_158, %dma_wait3A_159] : memref<100000x32xf32, #tpu.memory_space<hbm>> -> memref<100000x32xf32, #tpu.memory_space<hbm>>
    tpu.wait_indirect_dma semaphore(%arg15 : memref<!tpu.dma_semaphore, #tpu.memory_space<semaphore_mem>>) src(%dma_wait3A_160 : memref<100000x32xf32, #tpu.memory_space<hbm>>) dst(%dma_wait3A_154 : memref<128x32xf32, #tpu.memory_space<vmem>>)
    %iota3A = tpu.iota {dimensions = array<i32: 0>} : vector<16xi32>
    %scan3A = arith.constant 0 : i32
    %scan3A_161 = arith.constant 32 : i32
    %scan3A_162 = arith.addi %scan3A, %scan3A_161 : i32
    %scan3A_163 = arith.constant 1 : i32
    scf.for %scan3A_165 = %scan3A to %scan3A_162 step %scan3A_163  : i32 {
      %mul3A_166 = arith.constant 1 : i32
      %mul3A_167 = arith.muli %scan3A_165, %mul3A_166 : i32
      %add3A_168 = arith.constant 0 : i32
      %add3A_169 = arith.addi %add3A_168, %mul3A_167 : i32
      %mul3A_170 = arith.constant 16 : i32
      %mul3A_171 = arith.muli %add3A_169, %mul3A_170 : i32
      %add3A_172 = vector.broadcast %mul3A_171 : i32 to vector<16xi32>
      %add3A_173 = arith.addi %add3A_172, %iota3A : vector<16xi32>
      %broadcast_in_dim3A = arith.constant 0.000000e+00 : f32
      %broadcast_in_dim3A_174 = vector.broadcast %broadcast_in_dim3A : f32 to vector<16xf32>
      %broadcast_in_dim3A_175 = arith.constant 0 : i32
      %broadcast_in_dim3A_176 = vector.broadcast %broadcast_in_dim3A_175 : i32 to vector<16xi32>
      %gather3A = tpu.vector_load_idx %arg10[%add3A_173, %broadcast_in_dim3A_176] : memref<512x32xf32, #tpu.memory_space<vmem>>[vector<16xi32>, vector<16xi32>], vector<16xf32>,
      %gather3A_177 = tpu.vector_load_idx %arg11[%add3A_173, %broadcast_in_dim3A_176] : memref<512x32xf32, #tpu.memory_space<vmem>>[vector<16xi32>, vector<16xi32>], vector<16xf32>,
      %mul3A_178 = arith.mulf %gather3A, %gather3A_177 : vector<16xf32>
      %get3A = arith.constant 0 : i32
      %get3A_179 = arith.index_cast %get3A : i32 to index
      %get3A_180 = arith.constant 0 : index
      %get3A_181 = tpu.vector_load %arg12[%get3A_179, %get3A_180] {strides = array<i32>} : memref<32x16xf32, #tpu.memory_space<vmem>>, vector<16xf32>,
      %mul3A_182 = arith.mulf %mul3A_178, %get3A_181 : vector<16xf32>
      %add3A_183 = arith.addf %broadcast_in_dim3A_174, %mul3A_182 : vector<16xf32>
      %broadcast_in_dim3A_184 = arith.constant 1 : i32
      %broadcast_in_dim3A_185 = vector.broadcast %broadcast_in_dim3A_184 : i32 to vector<16xi32>
      %gather3A_186 = tpu.vector_load_idx %arg10[%add3A_173, %broadcast_in_dim3A_185] : memref<512x32xf32, #tpu.memory_space<vmem>>[vector<16xi32>, vector<16xi32>], vector<16xf32>,
      %gather3A_187 = tpu.vector_load_idx %arg11[%add3A_173, %broadcast_in_dim3A_185] : memref<512x32xf32, #tpu.memory_space<vmem>>[vector<16xi32>, vector<16xi32>], vector<16xf32>,
      %mul3A_188 = arith.mulf %gather3A_186, %gather3A_187 : vector<16xf32>
      %get3A_189 = arith.constant 1 : i32
      %get3A_190 = arith.index_cast %get3A_189 : i32 to index
      %get3A_191 = arith.constant 0 : index
      %get3A_192 = tpu.vector_load %arg12[%get3A_190, %get3A_191] {strides = array<i32>} : memref<32x16xf32, #tpu.memory_space<vmem>>, vector<16xf32>,
      %mul3A_193 = arith.mulf %mul3A_188, %get3A_192 : vector<16xf32>
      %add3A_194 = arith.addf %add3A_183, %mul3A_193 : vector<16xf32>
      %broadcast_in_dim3A_195 = arith.constant 2 : i32
      %broadcast_in_dim3A_196 = vector.broadcast %broadcast_in_dim3A_195 : i32 to vector<16xi32>
      %gather3A_197 = tpu.vector_load_idx %arg10[%add3A_173, %broadcast_in_dim3A_196] : memref<512x32xf32, #tpu.memory_space<vmem>>[vector<16xi32>, vector<16xi32>], vector<16xf32>,
      %gather3A_198 = tpu.vector_load_idx %arg11[%add3A_173, %broadcast_in_dim3A_196] : memref<512x32xf32, #tpu.memory_space<vmem>>[vector<16xi32>, vector<16xi32>], vector<16xf32>,
      %mul3A_199 = arith.mulf %gather3A_197, %gather3A_198 : vector<16xf32>
      %get3A_200 = arith.constant 2 : i32
      %get3A_201 = arith.index_cast %get3A_200 : i32 to index
      %get3A_202 = arith.constant 0 : index
      %get3A_203 = tpu.vector_load %arg12[%get3A_201, %get3A_202] {strides = array<i32>} : memref<32x16xf32, #tpu.memory_space<vmem>>, vector<16xf32>,
      %mul3A_204 = arith.mulf %mul3A_199, %get3A_203 : vector<16xf32>
      %add3A_205 = arith.addf %add3A_194, %mul3A_204 : vector<16xf32>
      %broadcast_in_dim3A_206 = arith.constant 3 : i32
      %broadcast_in_dim3A_207 = vector.broadcast %broadcast_in_dim3A_206 : i32 to vector<16xi32>
      %gather3A_208 = tpu.vector_load_idx %arg10[%add3A_173, %broadcast_in_dim3A_207] : memref<512x32xf32, #tpu.memory_space<vmem>>[vector<16xi32>, vector<16xi32>], vector<16xf32>,
      %gather3A_209 = tpu.vector_load_idx %arg11[%add3A_173, %broadcast_in_dim3A_207] : memref<512x32xf32, #tpu.memory_space<vmem>>[vector<16xi32>, vector<16xi32>], vector<16xf32>,
      %mul3A_210 = arith.mulf %gather3A_208, %gather3A_209 : vector<16xf32>
      %get3A_211 = arith.constant 3 : i32
      %get3A_212 = arith.index_cast %get3A_211 : i32 to index
      %get3A_213 = arith.constant 0 : index
      %get3A_214 = tpu.vector_load %arg12[%get3A_212, %get3A_213] {strides = array<i32>} : memref<32x16xf32, #tpu.memory_space<vmem>>, vector<16xf32>,
      %mul3A_215 = arith.mulf %mul3A_210, %get3A_214 : vector<16xf32>
      %add3A_216 = arith.addf %add3A_205, %mul3A_215 : vector<16xf32>
      %broadcast_in_dim3A_217 = arith.constant 4 : i32
      %broadcast_in_dim3A_218 = vector.broadcast %broadcast_in_dim3A_217 : i32 to vector<16xi32>
      %gather3A_219 = tpu.vector_load_idx %arg10[%add3A_173, %broadcast_in_dim3A_218] : memref<512x32xf32, #tpu.memory_space<vmem>>[vector<16xi32>, vector<16xi32>], vector<16xf32>,
      %gather3A_220 = tpu.vector_load_idx %arg11[%add3A_173, %broadcast_in_dim3A_218] : memref<512x32xf32, #tpu.memory_space<vmem>>[vector<16xi32>, vector<16xi32>], vector<16xf32>,
      %mul3A_221 = arith.mulf %gather3A_219, %gather3A_220 : vector<16xf32>
      %get3A_222 = arith.constant 4 : i32
      %get3A_223 = arith.index_cast %get3A_222 : i32 to index
      %get3A_224 = arith.constant 0 : index
      %get3A_225 = tpu.vector_load %arg12[%get3A_223, %get3A_224] {strides = array<i32>} : memref<32x16xf32, #tpu.memory_space<vmem>>, vector<16xf32>,
      %mul3A_226 = arith.mulf %mul3A_221, %get3A_225 : vector<16xf32>
      %add3A_227 = arith.addf %add3A_216, %mul3A_226 : vector<16xf32>
      %broadcast_in_dim3A_228 = arith.constant 5 : i32
      %broadcast_in_dim3A_229 = vector.broadcast %broadcast_in_dim3A_228 : i32 to vector<16xi32>
      %gather3A_230 = tpu.vector_load_idx %arg10[%add3A_173, %broadcast_in_dim3A_229] : memref<512x32xf32, #tpu.memory_space<vmem>>[vector<16xi32>, vector<16xi32>], vector<16xf32>,
      %gather3A_231 = tpu.vector_load_idx %arg11[%add3A_173, %broadcast_in_dim3A_229] : memref<512x32xf32, #tpu.memory_space<vmem>>[vector<16xi32>, vector<16xi32>], vector<16xf32>,
      %mul3A_232 = arith.mulf %gather3A_230, %gather3A_231 : vector<16xf32>
      %get3A_233 = arith.constant 5 : i32
      %get3A_234 = arith.index_cast %get3A_233 : i32 to index
      %get3A_235 = arith.constant 0 : index
      %get3A_236 = tpu.vector_load %arg12[%get3A_234, %get3A_235] {strides = array<i32>} : memref<32x16xf32, #tpu.memory_space<vmem>>, vector<16xf32>,
      %mul3A_237 = arith.mulf %mul3A_232, %get3A_236 : vector<16xf32>
      %add3A_238 = arith.addf %add3A_227, %mul3A_237 : vector<16xf32>
      %broadcast_in_dim3A_239 = arith.constant 6 : i32
      %broadcast_in_dim3A_240 = vector.broadcast %broadcast_in_dim3A_239 : i32 to vector<16xi32>
      %gather3A_241 = tpu.vector_load_idx %arg10[%add3A_173, %broadcast_in_dim3A_240] : memref<512x32xf32, #tpu.memory_space<vmem>>[vector<16xi32>, vector<16xi32>], vector<16xf32>,
      %gather3A_242 = tpu.vector_load_idx %arg11[%add3A_173, %broadcast_in_dim3A_240] : memref<512x32xf32, #tpu.memory_space<vmem>>[vector<16xi32>, vector<16xi32>], vector<16xf32>,
      %mul3A_243 = arith.mulf %gather3A_241, %gather3A_242 : vector<16xf32>
      %get3A_244 = arith.constant 6 : i32
      %get3A_245 = arith.index_cast %get3A_244 : i32 to index
      %get3A_246 = arith.constant 0 : index
      %get3A_247 = tpu.vector_load %arg12[%get3A_245, %get3A_246] {strides = array<i32>} : memref<32x16xf32, #tpu.memory_space<vmem>>, vector<16xf32>,
      %mul3A_248 = arith.mulf %mul3A_243, %get3A_247 : vector<16xf32>
      %add3A_249 = arith.addf %add3A_238, %mul3A_248 : vector<16xf32>
      %broadcast_in_dim3A_250 = arith.constant 7 : i32
      %broadcast_in_dim3A_251 = vector.broadcast %broadcast_in_dim3A_250 : i32 to vector<16xi32>
      %gather3A_252 = tpu.vector_load_idx %arg10[%add3A_173, %broadcast_in_dim3A_251] : memref<512x32xf32, #tpu.memory_space<vmem>>[vector<16xi32>, vector<16xi32>], vector<16xf32>,
      %gather3A_253 = tpu.vector_load_idx %arg11[%add3A_173, %broadcast_in_dim3A_251] : memref<512x32xf32, #tpu.memory_space<vmem>>[vector<16xi32>, vector<16xi32>], vector<16xf32>,
      %mul3A_254 = arith.mulf %gather3A_252, %gather3A_253 : vector<16xf32>
      %get3A_255 = arith.constant 7 : i32
      %get3A_256 = arith.index_cast %get3A_255 : i32 to index
      %get3A_257 = arith.constant 0 : index
      %get3A_258 = tpu.vector_load %arg12[%get3A_256, %get3A_257] {strides = array<i32>} : memref<32x16xf32, #tpu.memory_space<vmem>>, vector<16xf32>,
      %mul3A_259 = arith.mulf %mul3A_254, %get3A_258 : vector<16xf32>
      %add3A_260 = arith.addf %add3A_249, %mul3A_259 : vector<16xf32>
      %broadcast_in_dim3A_261 = arith.constant 8 : i32
      %broadcast_in_dim3A_262 = vector.broadcast %broadcast_in_dim3A_261 : i32 to vector<16xi32>
      %gather3A_263 = tpu.vector_load_idx %arg10[%add3A_173, %broadcast_in_dim3A_262] : memref<512x32xf32, #tpu.memory_space<vmem>>[vector<16xi32>, vector<16xi32>], vector<16xf32>,
      %gather3A_264 = tpu.vector_load_idx %arg11[%add3A_173, %broadcast_in_dim3A_262] : memref<512x32xf32, #tpu.memory_space<vmem>>[vector<16xi32>, vector<16xi32>], vector<16xf32>,
      %mul3A_265 = arith.mulf %gather3A_263, %gather3A_264 : vector<16xf32>
      %get3A_266 = arith.constant 8 : i32
      %get3A_267 = arith.index_cast %get3A_266 : i32 to index
      %get3A_268 = arith.constant 0 : index
      %get3A_269 = tpu.vector_load %arg12[%get3A_267, %get3A_268] {strides = array<i32>} : memref<32x16xf32, #tpu.memory_space<vmem>>, vector<16xf32>,
      %mul3A_270 = arith.mulf %mul3A_265, %get3A_269 : vector<16xf32>
      %add3A_271 = arith.addf %add3A_260, %mul3A_270 : vector<16xf32>
      %broadcast_in_dim3A_272 = arith.constant 9 : i32
      %broadcast_in_dim3A_273 = vector.broadcast %broadcast_in_dim3A_272 : i32 to vector<16xi32>
      %gather3A_274 = tpu.vector_load_idx %arg10[%add3A_173, %broadcast_in_dim3A_273] : memref<512x32xf32, #tpu.memory_space<vmem>>[vector<16xi32>, vector<16xi32>], vector<16xf32>,
      %gather3A_275 = tpu.vector_load_idx %arg11[%add3A_173, %broadcast_in_dim3A_273] : memref<512x32xf32, #tpu.memory_space<vmem>>[vector<16xi32>, vector<16xi32>], vector<16xf32>,
      %mul3A_276 = arith.mulf %gather3A_274, %gather3A_275 : vector<16xf32>
      %get3A_277 = arith.constant 9 : i32
      %get3A_278 = arith.index_cast %get3A_277 : i32 to index
      %get3A_279 = arith.constant 0 : index
      %get3A_280 = tpu.vector_load %arg12[%get3A_278, %get3A_279] {strides = array<i32>} : memref<32x16xf32, #tpu.memory_space<vmem>>, vector<16xf32>,
      %mul3A_281 = arith.mulf %mul3A_276, %get3A_280 : vector<16xf32>
      %add3A_282 = arith.addf %add3A_271, %mul3A_281 : vector<16xf32>
      %broadcast_in_dim3A_283 = arith.constant 10 : i32
      %broadcast_in_dim3A_284 = vector.broadcast %broadcast_in_dim3A_283 : i32 to vector<16xi32>
      %gather3A_285 = tpu.vector_load_idx %arg10[%add3A_173, %broadcast_in_dim3A_284] : memref<512x32xf32, #tpu.memory_space<vmem>>[vector<16xi32>, vector<16xi32>], vector<16xf32>,
      %gather3A_286 = tpu.vector_load_idx %arg11[%add3A_173, %broadcast_in_dim3A_284] : memref<512x32xf32, #tpu.memory_space<vmem>>[vector<16xi32>, vector<16xi32>], vector<16xf32>,
      %mul3A_287 = arith.mulf %gather3A_285, %gather3A_286 : vector<16xf32>
      %get3A_288 = arith.constant 10 : i32
      %get3A_289 = arith.index_cast %get3A_288 : i32 to index
      %get3A_290 = arith.constant 0 : index
      %get3A_291 = tpu.vector_load %arg12[%get3A_289, %get3A_290] {strides = array<i32>} : memref<32x16xf32, #tpu.memory_space<vmem>>, vector<16xf32>,
      %mul3A_292 = arith.mulf %mul3A_287, %get3A_291 : vector<16xf32>
      %add3A_293 = arith.addf %add3A_282, %mul3A_292 : vector<16xf32>
      %broadcast_in_dim3A_294 = arith.constant 11 : i32
      %broadcast_in_dim3A_295 = vector.broadcast %broadcast_in_dim3A_294 : i32 to vector<16xi32>
      %gather3A_296 = tpu.vector_load_idx %arg10[%add3A_173, %broadcast_in_dim3A_295] : memref<512x32xf32, #tpu.memory_space<vmem>>[vector<16xi32>, vector<16xi32>], vector<16xf32>,
      %gather3A_297 = tpu.vector_load_idx %arg11[%add3A_173, %broadcast_in_dim3A_295] : memref<512x32xf32, #tpu.memory_space<vmem>>[vector<16xi32>, vector<16xi32>], vector<16xf32>,
      %mul3A_298 = arith.mulf %gather3A_296, %gather3A_297 : vector<16xf32>
      %get3A_299 = arith.constant 11 : i32
      %get3A_300 = arith.index_cast %get3A_299 : i32 to index
      %get3A_301 = arith.constant 0 : index
      %get3A_302 = tpu.vector_load %arg12[%get3A_300, %get3A_301] {strides = array<i32>} : memref<32x16xf32, #tpu.memory_space<vmem>>, vector<16xf32>,
      %mul3A_303 = arith.mulf %mul3A_298, %get3A_302 : vector<16xf32>
      %add3A_304 = arith.addf %add3A_293, %mul3A_303 : vector<16xf32>
      %broadcast_in_dim3A_305 = arith.constant 12 : i32
      %broadcast_in_dim3A_306 = vector.broadcast %broadcast_in_dim3A_305 : i32 to vector<16xi32>
      %gather3A_307 = tpu.vector_load_idx %arg10[%add3A_173, %broadcast_in_dim3A_306] : memref<512x32xf32, #tpu.memory_space<vmem>>[vector<16xi32>, vector<16xi32>], vector<16xf32>,
      %gather3A_308 = tpu.vector_load_idx %arg11[%add3A_173, %broadcast_in_dim3A_306] : memref<512x32xf32, #tpu.memory_space<vmem>>[vector<16xi32>, vector<16xi32>], vector<16xf32>,
      %mul3A_309 = arith.mulf %gather3A_307, %gather3A_308 : vector<16xf32>
      %get3A_310 = arith.constant 12 : i32
      %get3A_311 = arith.index_cast %get3A_310 : i32 to index
      %get3A_312 = arith.constant 0 : index
      %get3A_313 = tpu.vector_load %arg12[%get3A_311, %get3A_312] {strides = array<i32>} : memref<32x16xf32, #tpu.memory_space<vmem>>, vector<16xf32>,
      %mul3A_314 = arith.mulf %mul3A_309, %get3A_313 : vector<16xf32>
      %add3A_315 = arith.addf %add3A_304, %mul3A_314 : vector<16xf32>
      %broadcast_in_dim3A_316 = arith.constant 13 : i32
      %broadcast_in_dim3A_317 = vector.broadcast %broadcast_in_dim3A_316 : i32 to vector<16xi32>
      %gather3A_318 = tpu.vector_load_idx %arg10[%add3A_173, %broadcast_in_dim3A_317] : memref<512x32xf32, #tpu.memory_space<vmem>>[vector<16xi32>, vector<16xi32>], vector<16xf32>,
      %gather3A_319 = tpu.vector_load_idx %arg11[%add3A_173, %broadcast_in_dim3A_317] : memref<512x32xf32, #tpu.memory_space<vmem>>[vector<16xi32>, vector<16xi32>], vector<16xf32>,
      %mul3A_320 = arith.mulf %gather3A_318, %gather3A_319 : vector<16xf32>
      %get3A_321 = arith.constant 13 : i32
      %get3A_322 = arith.index_cast %get3A_321 : i32 to index
      %get3A_323 = arith.constant 0 : index
      %get3A_324 = tpu.vector_load %arg12[%get3A_322, %get3A_323] {strides = array<i32>} : memref<32x16xf32, #tpu.memory_space<vmem>>, vector<16xf32>,
      %mul3A_325 = arith.mulf %mul3A_320, %get3A_324 : vector<16xf32>
      %add3A_326 = arith.addf %add3A_315, %mul3A_325 : vector<16xf32>
      %broadcast_in_dim3A_327 = arith.constant 14 : i32
      %broadcast_in_dim3A_328 = vector.broadcast %broadcast_in_dim3A_327 : i32 to vector<16xi32>
      %gather3A_329 = tpu.vector_load_idx %arg10[%add3A_173, %broadcast_in_dim3A_328] : memref<512x32xf32, #tpu.memory_space<vmem>>[vector<16xi32>, vector<16xi32>], vector<16xf32>,
      %gather3A_330 = tpu.vector_load_idx %arg11[%add3A_173, %broadcast_in_dim3A_328] : memref<512x32xf32, #tpu.memory_space<vmem>>[vector<16xi32>, vector<16xi32>], vector<16xf32>,
      %mul3A_331 = arith.mulf %gather3A_329, %gather3A_330 : vector<16xf32>
      %get3A_332 = arith.constant 14 : i32
      %get3A_333 = arith.index_cast %get3A_332 : i32 to index
      %get3A_334 = arith.constant 0 : index
      %get3A_335 = tpu.vector_load %arg12[%get3A_333, %get3A_334] {strides = array<i32>} : memref<32x16xf32, #tpu.memory_space<vmem>>, vector<16xf32>,
      %mul3A_336 = arith.mulf %mul3A_331, %get3A_335 : vector<16xf32>
      %add3A_337 = arith.addf %add3A_326, %mul3A_336 : vector<16xf32>
      %broadcast_in_dim3A_338 = arith.constant 15 : i32
      %broadcast_in_dim3A_339 = vector.broadcast %broadcast_in_dim3A_338 : i32 to vector<16xi32>
      %gather3A_340 = tpu.vector_load_idx %arg10[%add3A_173, %broadcast_in_dim3A_339] : memref<512x32xf32, #tpu.memory_space<vmem>>[vector<16xi32>, vector<16xi32>], vector<16xf32>,
      %gather3A_341 = tpu.vector_load_idx %arg11[%add3A_173, %broadcast_in_dim3A_339] : memref<512x32xf32, #tpu.memory_space<vmem>>[vector<16xi32>, vector<16xi32>], vector<16xf32>,
      %mul3A_342 = arith.mulf %gather3A_340, %gather3A_341 : vector<16xf32>
      %get3A_343 = arith.constant 15 : i32
      %get3A_344 = arith.index_cast %get3A_343 : i32 to index
      %get3A_345 = arith.constant 0 : index
      %get3A_346 = tpu.vector_load %arg12[%get3A_344, %get3A_345] {strides = array<i32>} : memref<32x16xf32, #tpu.memory_space<vmem>>, vector<16xf32>,
      %mul3A_347 = arith.mulf %mul3A_342, %get3A_346 : vector<16xf32>
      %add3A_348 = arith.addf %add3A_337, %mul3A_347 : vector<16xf32>
      %broadcast_in_dim3A_349 = arith.constant 16 : i32
      %broadcast_in_dim3A_350 = vector.broadcast %broadcast_in_dim3A_349 : i32 to vector<16xi32>
      %gather3A_351 = tpu.vector_load_idx %arg10[%add3A_173, %broadcast_in_dim3A_350] : memref<512x32xf32, #tpu.memory_space<vmem>>[vector<16xi32>, vector<16xi32>], vector<16xf32>,
      %gather3A_352 = tpu.vector_load_idx %arg11[%add3A_173, %broadcast_in_dim3A_350] : memref<512x32xf32, #tpu.memory_space<vmem>>[vector<16xi32>, vector<16xi32>], vector<16xf32>,
      %mul3A_353 = arith.mulf %gather3A_351, %gather3A_352 : vector<16xf32>
      %get3A_354 = arith.constant 16 : i32
      %get3A_355 = arith.index_cast %get3A_354 : i32 to index
      %get3A_356 = arith.constant 0 : index
      %get3A_357 = tpu.vector_load %arg12[%get3A_355, %get3A_356] {strides = array<i32>} : memref<32x16xf32, #tpu.memory_space<vmem>>, vector<16xf32>,
      %mul3A_358 = arith.mulf %mul3A_353, %get3A_357 : vector<16xf32>
      %add3A_359 = arith.addf %add3A_348, %mul3A_358 : vector<16xf32>
      %broadcast_in_dim3A_360 = arith.constant 17 : i32
      %broadcast_in_dim3A_361 = vector.broadcast %broadcast_in_dim3A_360 : i32 to vector<16xi32>
      %gather3A_362 = tpu.vector_load_idx %arg10[%add3A_173, %broadcast_in_dim3A_361] : memref<512x32xf32, #tpu.memory_space<vmem>>[vector<16xi32>, vector<16xi32>], vector<16xf32>,
      %gather3A_363 = tpu.vector_load_idx %arg11[%add3A_173, %broadcast_in_dim3A_361] : memref<512x32xf32, #tpu.memory_space<vmem>>[vector<16xi32>, vector<16xi32>], vector<16xf32>,
      %mul3A_364 = arith.mulf %gather3A_362, %gather3A_363 : vector<16xf32>
      %get3A_365 = arith.constant 17 : i32
      %get3A_366 = arith.index_cast %get3A_365 : i32 to index
      %get3A_367 = arith.constant 0 : index
      %get3A_368 = tpu.vector_load %arg12[%get3A_366, %get3A_367] {strides = array<i32>} : memref<32x16xf32, #tpu.memory_space<vmem>>, vector<16xf32>,
      %mul3A_369 = arith.mulf %mul3A_364, %get3A_368 : vector<16xf32>
      %add3A_370 = arith.addf %add3A_359, %mul3A_369 : vector<16xf32>
      %broadcast_in_dim3A_371 = arith.constant 18 : i32
      %broadcast_in_dim3A_372 = vector.broadcast %broadcast_in_dim3A_371 : i32 to vector<16xi32>
      %gather3A_373 = tpu.vector_load_idx %arg10[%add3A_173, %broadcast_in_dim3A_372] : memref<512x32xf32, #tpu.memory_space<vmem>>[vector<16xi32>, vector<16xi32>], vector<16xf32>,
      %gather3A_374 = tpu.vector_load_idx %arg11[%add3A_173, %broadcast_in_dim3A_372] : memref<512x32xf32, #tpu.memory_space<vmem>>[vector<16xi32>, vector<16xi32>], vector<16xf32>,
      %mul3A_375 = arith.mulf %gather3A_373, %gather3A_374 : vector<16xf32>
      %get3A_376 = arith.constant 18 : i32
      %get3A_377 = arith.index_cast %get3A_376 : i32 to index
      %get3A_378 = arith.constant 0 : index
      %get3A_379 = tpu.vector_load %arg12[%get3A_377, %get3A_378] {strides = array<i32>} : memref<32x16xf32, #tpu.memory_space<vmem>>, vector<16xf32>,
      %mul3A_380 = arith.mulf %mul3A_375, %get3A_379 : vector<16xf32>
      %add3A_381 = arith.addf %add3A_370, %mul3A_380 : vector<16xf32>
      %broadcast_in_dim3A_382 = arith.constant 19 : i32
      %broadcast_in_dim3A_383 = vector.broadcast %broadcast_in_dim3A_382 : i32 to vector<16xi32>
      %gather3A_384 = tpu.vector_load_idx %arg10[%add3A_173, %broadcast_in_dim3A_383] : memref<512x32xf32, #tpu.memory_space<vmem>>[vector<16xi32>, vector<16xi32>], vector<16xf32>,
      %gather3A_385 = tpu.vector_load_idx %arg11[%add3A_173, %broadcast_in_dim3A_383] : memref<512x32xf32, #tpu.memory_space<vmem>>[vector<16xi32>, vector<16xi32>], vector<16xf32>,
      %mul3A_386 = arith.mulf %gather3A_384, %gather3A_385 : vector<16xf32>
      %get3A_387 = arith.constant 19 : i32
      %get3A_388 = arith.index_cast %get3A_387 : i32 to index
      %get3A_389 = arith.constant 0 : index
      %get3A_390 = tpu.vector_load %arg12[%get3A_388, %get3A_389] {strides = array<i32>} : memref<32x16xf32, #tpu.memory_space<vmem>>, vector<16xf32>,
      %mul3A_391 = arith.mulf %mul3A_386, %get3A_390 : vector<16xf32>
      %add3A_392 = arith.addf %add3A_381, %mul3A_391 : vector<16xf32>
      %broadcast_in_dim3A_393 = arith.constant 20 : i32
      %broadcast_in_dim3A_394 = vector.broadcast %broadcast_in_dim3A_393 : i32 to vector<16xi32>
      %gather3A_395 = tpu.vector_load_idx %arg10[%add3A_173, %broadcast_in_dim3A_394] : memref<512x32xf32, #tpu.memory_space<vmem>>[vector<16xi32>, vector<16xi32>], vector<16xf32>,
      %gather3A_396 = tpu.vector_load_idx %arg11[%add3A_173, %broadcast_in_dim3A_394] : memref<512x32xf32, #tpu.memory_space<vmem>>[vector<16xi32>, vector<16xi32>], vector<16xf32>,
      %mul3A_397 = arith.mulf %gather3A_395, %gather3A_396 : vector<16xf32>
      %get3A_398 = arith.constant 20 : i32
      %get3A_399 = arith.index_cast %get3A_398 : i32 to index
      %get3A_400 = arith.constant 0 : index
      %get3A_401 = tpu.vector_load %arg12[%get3A_399, %get3A_400] {strides = array<i32>} : memref<32x16xf32, #tpu.memory_space<vmem>>, vector<16xf32>,
      %mul3A_402 = arith.mulf %mul3A_397, %get3A_401 : vector<16xf32>
      %add3A_403 = arith.addf %add3A_392, %mul3A_402 : vector<16xf32>
      %broadcast_in_dim3A_404 = arith.constant 21 : i32
      %broadcast_in_dim3A_405 = vector.broadcast %broadcast_in_dim3A_404 : i32 to vector<16xi32>
      %gather3A_406 = tpu.vector_load_idx %arg10[%add3A_173, %broadcast_in_dim3A_405] : memref<512x32xf32, #tpu.memory_space<vmem>>[vector<16xi32>, vector<16xi32>], vector<16xf32>,
      %gather3A_407 = tpu.vector_load_idx %arg11[%add3A_173, %broadcast_in_dim3A_405] : memref<512x32xf32, #tpu.memory_space<vmem>>[vector<16xi32>, vector<16xi32>], vector<16xf32>,
      %mul3A_408 = arith.mulf %gather3A_406, %gather3A_407 : vector<16xf32>
      %get3A_409 = arith.constant 21 : i32
      %get3A_410 = arith.index_cast %get3A_409 : i32 to index
      %get3A_411 = arith.constant 0 : index
      %get3A_412 = tpu.vector_load %arg12[%get3A_410, %get3A_411] {strides = array<i32>} : memref<32x16xf32, #tpu.memory_space<vmem>>, vector<16xf32>,
      %mul3A_413 = arith.mulf %mul3A_408, %get3A_412 : vector<16xf32>
      %add3A_414 = arith.addf %add3A_403, %mul3A_413 : vector<16xf32>
      %broadcast_in_dim3A_415 = arith.constant 22 : i32
      %broadcast_in_dim3A_416 = vector.broadcast %broadcast_in_dim3A_415 : i32 to vector<16xi32>
      %gather3A_417 = tpu.vector_load_idx %arg10[%add3A_173, %broadcast_in_dim3A_416] : memref<512x32xf32, #tpu.memory_space<vmem>>[vector<16xi32>, vector<16xi32>], vector<16xf32>,
      %gather3A_418 = tpu.vector_load_idx %arg11[%add3A_173, %broadcast_in_dim3A_416] : memref<512x32xf32, #tpu.memory_space<vmem>>[vector<16xi32>, vector<16xi32>], vector<16xf32>,
      %mul3A_419 = arith.mulf %gather3A_417, %gather3A_418 : vector<16xf32>
      %get3A_420 = arith.constant 22 : i32
      %get3A_421 = arith.index_cast %get3A_420 : i32 to index
      %get3A_422 = arith.constant 0 : index
      %get3A_423 = tpu.vector_load %arg12[%get3A_421, %get3A_422] {strides = array<i32>} : memref<32x16xf32, #tpu.memory_space<vmem>>, vector<16xf32>,
      %mul3A_424 = arith.mulf %mul3A_419, %get3A_423 : vector<16xf32>
      %add3A_425 = arith.addf %add3A_414, %mul3A_424 : vector<16xf32>
      %broadcast_in_dim3A_426 = arith.constant 23 : i32
      %broadcast_in_dim3A_427 = vector.broadcast %broadcast_in_dim3A_426 : i32 to vector<16xi32>
      %gather3A_428 = tpu.vector_load_idx %arg10[%add3A_173, %broadcast_in_dim3A_427] : memref<512x32xf32, #tpu.memory_space<vmem>>[vector<16xi32>, vector<16xi32>], vector<16xf32>,
      %gather3A_429 = tpu.vector_load_idx %arg11[%add3A_173, %broadcast_in_dim3A_427] : memref<512x32xf32, #tpu.memory_space<vmem>>[vector<16xi32>, vector<16xi32>], vector<16xf32>,
      %mul3A_430 = arith.mulf %gather3A_428, %gather3A_429 : vector<16xf32>
      %get3A_431 = arith.constant 23 : i32
      %get3A_432 = arith.index_cast %get3A_431 : i32 to index
      %get3A_433 = arith.constant 0 : index
      %get3A_434 = tpu.vector_load %arg12[%get3A_432, %get3A_433] {strides = array<i32>} : memref<32x16xf32, #tpu.memory_space<vmem>>, vector<16xf32>,
      %mul3A_435 = arith.mulf %mul3A_430, %get3A_434 : vector<16xf32>
      %add3A_436 = arith.addf %add3A_425, %mul3A_435 : vector<16xf32>
      %broadcast_in_dim3A_437 = arith.constant 24 : i32
      %broadcast_in_dim3A_438 = vector.broadcast %broadcast_in_dim3A_437 : i32 to vector<16xi32>
      %gather3A_439 = tpu.vector_load_idx %arg10[%add3A_173, %broadcast_in_dim3A_438] : memref<512x32xf32, #tpu.memory_space<vmem>>[vector<16xi32>, vector<16xi32>], vector<16xf32>,
      %gather3A_440 = tpu.vector_load_idx %arg11[%add3A_173, %broadcast_in_dim3A_438] : memref<512x32xf32, #tpu.memory_space<vmem>>[vector<16xi32>, vector<16xi32>], vector<16xf32>,
      %mul3A_441 = arith.mulf %gather3A_439, %gather3A_440 : vector<16xf32>
      %get3A_442 = arith.constant 24 : i32
      %get3A_443 = arith.index_cast %get3A_442 : i32 to index
      %get3A_444 = arith.constant 0 : index
      %get3A_445 = tpu.vector_load %arg12[%get3A_443, %get3A_444] {strides = array<i32>} : memref<32x16xf32, #tpu.memory_space<vmem>>, vector<16xf32>,
      %mul3A_446 = arith.mulf %mul3A_441, %get3A_445 : vector<16xf32>
      %add3A_447 = arith.addf %add3A_436, %mul3A_446 : vector<16xf32>
      %broadcast_in_dim3A_448 = arith.constant 25 : i32
      %broadcast_in_dim3A_449 = vector.broadcast %broadcast_in_dim3A_448 : i32 to vector<16xi32>
      %gather3A_450 = tpu.vector_load_idx %arg10[%add3A_173, %broadcast_in_dim3A_449] : memref<512x32xf32, #tpu.memory_space<vmem>>[vector<16xi32>, vector<16xi32>], vector<16xf32>,
      %gather3A_451 = tpu.vector_load_idx %arg11[%add3A_173, %broadcast_in_dim3A_449] : memref<512x32xf32, #tpu.memory_space<vmem>>[vector<16xi32>, vector<16xi32>], vector<16xf32>,
      %mul3A_452 = arith.mulf %gather3A_450, %gather3A_451 : vector<16xf32>
      %get3A_453 = arith.constant 25 : i32
      %get3A_454 = arith.index_cast %get3A_453 : i32 to index
      %get3A_455 = arith.constant 0 : index
      %get3A_456 = tpu.vector_load %arg12[%get3A_454, %get3A_455] {strides = array<i32>} : memref<32x16xf32, #tpu.memory_space<vmem>>, vector<16xf32>,
      %mul3A_457 = arith.mulf %mul3A_452, %get3A_456 : vector<16xf32>
      %add3A_458 = arith.addf %add3A_447, %mul3A_457 : vector<16xf32>
      %broadcast_in_dim3A_459 = arith.constant 26 : i32
      %broadcast_in_dim3A_460 = vector.broadcast %broadcast_in_dim3A_459 : i32 to vector<16xi32>
      %gather3A_461 = tpu.vector_load_idx %arg10[%add3A_173, %broadcast_in_dim3A_460] : memref<512x32xf32, #tpu.memory_space<vmem>>[vector<16xi32>, vector<16xi32>], vector<16xf32>,
      %gather3A_462 = tpu.vector_load_idx %arg11[%add3A_173, %broadcast_in_dim3A_460] : memref<512x32xf32, #tpu.memory_space<vmem>>[vector<16xi32>, vector<16xi32>], vector<16xf32>,
      %mul3A_463 = arith.mulf %gather3A_461, %gather3A_462 : vector<16xf32>
      %get3A_464 = arith.constant 26 : i32
      %get3A_465 = arith.index_cast %get3A_464 : i32 to index
      %get3A_466 = arith.constant 0 : index
      %get3A_467 = tpu.vector_load %arg12[%get3A_465, %get3A_466] {strides = array<i32>} : memref<32x16xf32, #tpu.memory_space<vmem>>, vector<16xf32>,
      %mul3A_468 = arith.mulf %mul3A_463, %get3A_467 : vector<16xf32>
      %add3A_469 = arith.addf %add3A_458, %mul3A_468 : vector<16xf32>
      %broadcast_in_dim3A_470 = arith.constant 27 : i32
      %broadcast_in_dim3A_471 = vector.broadcast %broadcast_in_dim3A_470 : i32 to vector<16xi32>
      %gather3A_472 = tpu.vector_load_idx %arg10[%add3A_173, %broadcast_in_dim3A_471] : memref<512x32xf32, #tpu.memory_space<vmem>>[vector<16xi32>, vector<16xi32>], vector<16xf32>,
      %gather3A_473 = tpu.vector_load_idx %arg11[%add3A_173, %broadcast_in_dim3A_471] : memref<512x32xf32, #tpu.memory_space<vmem>>[vector<16xi32>, vector<16xi32>], vector<16xf32>,
      %mul3A_474 = arith.mulf %gather3A_472, %gather3A_473 : vector<16xf32>
      %get3A_475 = arith.constant 27 : i32
      %get3A_476 = arith.index_cast %get3A_475 : i32 to index
      %get3A_477 = arith.constant 0 : index
      %get3A_478 = tpu.vector_load %arg12[%get3A_476, %get3A_477] {strides = array<i32>} : memref<32x16xf32, #tpu.memory_space<vmem>>, vector<16xf32>,
      %mul3A_479 = arith.mulf %mul3A_474, %get3A_478 : vector<16xf32>
      %add3A_480 = arith.addf %add3A_469, %mul3A_479 : vector<16xf32>
      %broadcast_in_dim3A_481 = arith.constant 28 : i32
      %broadcast_in_dim3A_482 = vector.broadcast %broadcast_in_dim3A_481 : i32 to vector<16xi32>
      %gather3A_483 = tpu.vector_load_idx %arg10[%add3A_173, %broadcast_in_dim3A_482] : memref<512x32xf32, #tpu.memory_space<vmem>>[vector<16xi32>, vector<16xi32>], vector<16xf32>,
      %gather3A_484 = tpu.vector_load_idx %arg11[%add3A_173, %broadcast_in_dim3A_482] : memref<512x32xf32, #tpu.memory_space<vmem>>[vector<16xi32>, vector<16xi32>], vector<16xf32>,
      %mul3A_485 = arith.mulf %gather3A_483, %gather3A_484 : vector<16xf32>
      %get3A_486 = arith.constant 28 : i32
      %get3A_487 = arith.index_cast %get3A_486 : i32 to index
      %get3A_488 = arith.constant 0 : index
      %get3A_489 = tpu.vector_load %arg12[%get3A_487, %get3A_488] {strides = array<i32>} : memref<32x16xf32, #tpu.memory_space<vmem>>, vector<16xf32>,
      %mul3A_490 = arith.mulf %mul3A_485, %get3A_489 : vector<16xf32>
      %add3A_491 = arith.addf %add3A_480, %mul3A_490 : vector<16xf32>
      %broadcast_in_dim3A_492 = arith.constant 29 : i32
      %broadcast_in_dim3A_493 = vector.broadcast %broadcast_in_dim3A_492 : i32 to vector<16xi32>
      %gather3A_494 = tpu.vector_load_idx %arg10[%add3A_173, %broadcast_in_dim3A_493] : memref<512x32xf32, #tpu.memory_space<vmem>>[vector<16xi32>, vector<16xi32>], vector<16xf32>,
      %gather3A_495 = tpu.vector_load_idx %arg11[%add3A_173, %broadcast_in_dim3A_493] : memref<512x32xf32, #tpu.memory_space<vmem>>[vector<16xi32>, vector<16xi32>], vector<16xf32>,
      %mul3A_496 = arith.mulf %gather3A_494, %gather3A_495 : vector<16xf32>
      %get3A_497 = arith.constant 29 : i32
      %get3A_498 = arith.index_cast %get3A_497 : i32 to index
      %get3A_499 = arith.constant 0 : index
      %get3A_500 = tpu.vector_load %arg12[%get3A_498, %get3A_499] {strides = array<i32>} : memref<32x16xf32, #tpu.memory_space<vmem>>, vector<16xf32>,
      %mul3A_501 = arith.mulf %mul3A_496, %get3A_500 : vector<16xf32>
      %add3A_502 = arith.addf %add3A_491, %mul3A_501 : vector<16xf32>
      %broadcast_in_dim3A_503 = arith.constant 30 : i32
      %broadcast_in_dim3A_504 = vector.broadcast %broadcast_in_dim3A_503 : i32 to vector<16xi32>
      %gather3A_505 = tpu.vector_load_idx %arg10[%add3A_173, %broadcast_in_dim3A_504] : memref<512x32xf32, #tpu.memory_space<vmem>>[vector<16xi32>, vector<16xi32>], vector<16xf32>,
      %gather3A_506 = tpu.vector_load_idx %arg11[%add3A_173, %broadcast_in_dim3A_504] : memref<512x32xf32, #tpu.memory_space<vmem>>[vector<16xi32>, vector<16xi32>], vector<16xf32>,
      %mul3A_507 = arith.mulf %gather3A_505, %gather3A_506 : vector<16xf32>
      %get3A_508 = arith.constant 30 : i32
      %get3A_509 = arith.index_cast %get3A_508 : i32 to index
      %get3A_510 = arith.constant 0 : index
      %get3A_511 = tpu.vector_load %arg12[%get3A_509, %get3A_510] {strides = array<i32>} : memref<32x16xf32, #tpu.memory_space<vmem>>, vector<16xf32>,
      %mul3A_512 = arith.mulf %mul3A_507, %get3A_511 : vector<16xf32>
      %add3A_513 = arith.addf %add3A_502, %mul3A_512 : vector<16xf32>
      %broadcast_in_dim3A_514 = arith.constant 31 : i32
      %broadcast_in_dim3A_515 = vector.broadcast %broadcast_in_dim3A_514 : i32 to vector<16xi32>
      %gather3A_516 = tpu.vector_load_idx %arg10[%add3A_173, %broadcast_in_dim3A_515] : memref<512x32xf32, #tpu.memory_space<vmem>>[vector<16xi32>, vector<16xi32>], vector<16xf32>,
      %gather3A_517 = tpu.vector_load_idx %arg11[%add3A_173, %broadcast_in_dim3A_515] : memref<512x32xf32, #tpu.memory_space<vmem>>[vector<16xi32>, vector<16xi32>], vector<16xf32>,
      %mul3A_518 = arith.mulf %gather3A_516, %gather3A_517 : vector<16xf32>
      %get3A_519 = arith.constant 31 : i32
      %get3A_520 = arith.index_cast %get3A_519 : i32 to index
      %get3A_521 = arith.constant 0 : index
      %get3A_522 = tpu.vector_load %arg12[%get3A_520, %get3A_521] {strides = array<i32>} : memref<32x16xf32, #tpu.memory_space<vmem>>, vector<16xf32>,
      %mul3A_523 = arith.mulf %mul3A_518, %get3A_522 : vector<16xf32>
      %add3A_524 = arith.addf %add3A_513, %mul3A_523 : vector<16xf32>
      %mul3A_525 = arith.constant 16 : i32
      %mul3A_526 = arith.muli %add3A_169, %mul3A_525 : i32
      %swap3A = arith.index_cast %mul3A_526 : i32 to index
      %swap3A_527 = tpu.vector_load %arg13[%swap3A] {strides = array<i32>} : memref<512xf32, #tpu.memory_space<vmem>>, vector<16xf32>,
      tpu.vector_store %arg13[%swap3A], %add3A_524 {strides = array<i32>} : memref<512xf32, #tpu.memory_space<vmem>>, vector<16xf32>,
    }
    %scan3A_164 = arith.constant 32 : i32
    "tpu.region"() ({
      %run_scoped3A = tpu.sem_alloc : memref<!tpu.dma_semaphore, #tpu.memory_space<semaphore_mem>>
      %dma_start3A_165 = tpu.memref_slice %arg7[%mul3A_2] : memref<16384xf32, #tpu.memory_space<hbm>> -> memref<512xf32, #tpu.memory_space<hbm>>
      %dma_start3A_166 = tpu.memref_slice %arg7[%mul3A_2] : memref<16384xf32, #tpu.memory_space<hbm>> -> memref<512xf32, #tpu.memory_space<hbm>>
      tpu.enqueue_dma source(%arg13 : memref<512xf32, #tpu.memory_space<vmem>>) target(%dma_start3A_166 : memref<512xf32, #tpu.memory_space<hbm>>) target_semaphore(%run_scoped3A : memref<!tpu.dma_semaphore, #tpu.memory_space<semaphore_mem>>)
      %dma_wait3A_167 = tpu.memref_slice %arg7[%mul3A_2] : memref<16384xf32, #tpu.memory_space<hbm>> -> memref<512xf32, #tpu.memory_space<hbm>>
      %dma_wait3A_168 = tpu.memref_slice %arg7[%mul3A_2] : memref<16384xf32, #tpu.memory_space<hbm>> -> memref<512xf32, #tpu.memory_space<hbm>>
      tpu.wait_dma2 semaphore(%run_scoped3A : memref<!tpu.dma_semaphore, #tpu.memory_space<semaphore_mem>>) src(%arg13 : memref<512xf32, #tpu.memory_space<vmem>>) dst(%dma_wait3A_168 : memref<512xf32, #tpu.memory_space<hbm>>)
      tpu.yield
    }) : () -> ()
    return
  }
}

</mosaic_0001>

<sc_bundles>
// kernel: kernel.3.cloned.1.call-start
scs
__scs_entry_jumppad:
0x0: {  	(pc) =	sbr.rel $0x88, $3  }
0x1: {  	(tag) =	ssettag $0x0;
	lr =	simm.s32 $0x1  }
0x2: {  	[smem:$0x3F9C] =	sst lr;
	_ =	strace $0xD0000000  }
0x3: {  	_ = 	snop  }
0x4: {  	_ = 	snop  }
0x5: {  	_ = 	snop  }
0x6: {  	_ = 	snop  }
0x7: {  	_ = 	snop  }
__scs_overlays_trampoline_lowered:
0x8: {  	[smem:$0x3FAB] =	sst s0  }
0x9: {  	[smem:$0x3FAC] =	sst s1  }
0xa: {  	[smem:$0x3FAD] =	sst s2  }
0xb: {  	[smem:$0x3FAE] =	sst s3  }
0xc: {  	[smem:$0x3FAF] =	sst s4  }
0xd: {  	[smem:$0x3FB0] =	sst s5  }
0xe: {  	[smem:$0x3FB1] =	sst s6  }
0xf: {  	[smem:$0x3FB2] =	sst s7  }
0x10: {  	[smem:$0x3FB3] =	sst s8  }
0x11: {  	[smem:$0x3FB4] =	sst s9;
	s0 =	simm.s32 @!p0 $0x0  }
0x12: {  	s1 =	sld [smem:$0x3F9A];
	s0 =	simm.s32 @p0 $0x1  }
0x13: {  	[smem:$0x3FB5] =	sst s0;
	s0 =	simm.s32 @!p1 $0x0  }
0x14: {  	s2 =	sld [smem:$0x3F99];
	s0 =	simm.s32 @p1 $0x1  }
0x15: {  	[smem:$0x3FB6] =	sst s0;
	s0 =	simm.s32 @!p2 $0x0  }
0x16: {  	s3 =	sld [smem:$0x3FDB];
	s0 =	simm.s32 @p2 $0x1  }
0x17: {  	s4 =	simm.s32 $0x1BF5;
	[smem:$0x3FB8] =	sst s0  }
0x18: {  	s0 =	sld [smem:$0x3F9B];
	_ =	swait.ge [sflag:s4], $0x0  }
0x19: {  	s7 =	sld [smem:$0x3F9C]  }
0x1a: {  	s8 =	sadd.s32 $0xFFFFE003, lr  }
0x1b: {  	s9 =	sadd.s32 $0xFFFFFEF7, lr;
	s5 =	simm.s32 $0xFFFFFFFF;
	p2 =	slt.u32 s8, $0xFFFFF086  }
0x1c: {  	p1 =	slt.u32 s9, $0xF7A;
	s5 =	simm.s32 @!p2 $0x0  }
0x1d: {  	s5 =	simm.s32 @p1 $0x1;
	p0 =	seq.s32 s7, s2  }
0x1e: {  	s7 =	smul.u32 @!p0 $0xF7A, s2;
	p2 =	seq.s32 @!p0 s5, $0x0  }
0x1f: {  	s9 =	smul.u32 $0xF7A, s1;
	s8 =	simm.s32 @!p0 $0x1BF5;
	p2 =	por !p2, p0  }
0x20: {  	[sflag:s8] =	ssyncset.s32 @!p0 $0xFFFFF086;
	s6 =	sadd.s32 @!p0 s3, s7;
	s7 =	simm.s32 @!p0 $0x108  }
0x21: {  	s3 =	sadd.s32 s3, s9;
	s6 =	sadd.s32 @!p0 $0x88, s6;
	s7 =	simm.s32 @p2 $0x1082  }
0x22: {  	[simem:s7], [sflag:s8] =	dma.local @!p0 [hbm:s6], $0xF7A  }
0x23: {  	s9 =	sor.u32 $0xD0000000, s2;
	s6 =	simm.s32 $0x108;
	_ =	swait.ge @!p0 [sflag:s8], $0x0  }
0x24: {  	s3 =	sadd.s32 $0x88, s3;
	s6 =	simm.s32 @!p1 $0x1082;
	[sflag:s4] =	ssyncset.s32 $0xFFFFF086  }
0x25: {  	[simem:s6], [sflag:s4] =	dma.local [hbm:s3], $0xF7A  }
0x26: {  	[smem:$0x3F9C] =	sst s1;
	(tag) =	ssettag s2;
	_ =	strace s9  }
0x27: {  	s1 =	sld [smem:$0x3FAC]  }
0x28: {  	s2 =	sld [smem:$0x3FAD]  }
0x29: {  	s4 =	sld [smem:$0x3FAF]  }
0x2a: {  	p0 =	seq.s32 s5, $0x0;
	s5 =	sld [smem:$0x3FB0]  }
0x2b: {  	s6 =	sld [smem:$0x3FB1]  }
0x2c: {  	s7 =	sld [smem:$0x3FB2]  }
0x2d: {  	s3 =	simm.s32 $0x108;
	s8 =	sld [smem:$0x3FB3]  }
0x2e: {  	s3 =	simm.s32 @!p0 $0x1082;
	s9 =	sld [smem:$0x3FB4]  }
0x2f: {  	lr =	sadd.s32 s0, s3;
	s0 =	sld [smem:$0x3FAB]  }
0x30: {  	s3 =	sld [smem:$0x3FAE]  }
0x31: {  	[smem:$0x3FB7] =	sst s10  }
0x32: {  	s10 =	sld [smem:$0x3FB5];
	_ =	sdelay $0x3  }
0x33: {  	p0 =	seq.s32 s10, $0x1;
	s10 =	sld [smem:$0x3FB7];
	_ =	sdelay $0x3  }
0x34: {  	[smem:$0x3FB7] =	sst s10  }
0x35: {  	s10 =	sld [smem:$0x3FB6];
	_ =	sdelay $0x3  }
0x36: {  	p1 =	seq.s32 s10, $0x1;
	s10 =	sld [smem:$0x3FB7];
	_ =	sdelay $0x3  }
0x37: {  	[smem:$0x3FB7] =	sst s10  }
0x38: {  	s10 =	sld [smem:$0x3FB8]  }
0x39: {  	_ = 	snop;
	(pc) =	sbr.ind lr, $3  }
0x3a: {  	_ = 	snop  }
0x3b: {  	_ = 	snop  }
0x3c: {  	p2 =	seq.s32 s10, $0x1;
	s10 =	sld [smem:$0x3FB7]  }
0x3d: {  	_ =	shalt  }
0x3e: {  	_ =	shalt  }
0x3f: {  	_ =	shalt  }
0x40: {  	_ =	shalt  }
0x41: {  	_ =	shalt  }
0x42: {  	_ =	shalt  }
0x43: {  	_ =	shalt  }
0x44: {  	_ =	shalt  }
0x45: {  	_ =	shalt  }
0x46: {  	_ =	shalt  }
0x47: {  	_ =	shalt  }
0x48: {  	_ =	shalt  }
0x49: {  	_ =	shalt  }
0x4a: {  	_ =	shalt  }
0x4b: {  	_ =	shalt  }
0x4c: {  	_ =	shalt  }
0x4d: {  	_ =	shalt  }
0x4e: {  	_ =	shalt  }
0x4f: {  	_ =	shalt  }
0x50: {  	_ =	shalt  }
0x51: {  	_ =	shalt  }
0x52: {  	_ =	shalt  }
0x53: {  	_ =	shalt  }
0x54: {  	_ =	shalt  }
0x55: {  	_ =	shalt  }
0x56: {  	_ =	shalt  }
0x57: {  	_ =	shalt  }
0x58: {  	_ =	shalt  }
0x59: {  	_ =	shalt  }
0x5a: {  	_ =	shalt  }
0x5b: {  	_ =	shalt  }
0x5c: {  	_ =	shalt  }
0x5d: {  	_ =	shalt  }
0x5e: {  	_ =	shalt  }
0x5f: {  	_ =	shalt  }
0x60: {  	_ =	shalt  }
0x61: {  	_ =	shalt  }
0x62: {  	_ =	shalt  }
0x63: {  	_ =	shalt  }
0x64: {  	_ =	shalt  }
0x65: {  	_ =	shalt  }
0x66: {  	_ =	shalt  }
0x67: {  	_ =	shalt  }
0x68: {  	_ =	shalt  }
0x69: {  	_ =	shalt  }
0x6a: {  	_ =	shalt  }
0x6b: {  	_ =	shalt  }
0x6c: {  	_ =	shalt  }
0x6d: {  	_ =	shalt  }
0x6e: {  	_ =	shalt  }
0x6f: {  	_ =	shalt  }
0x70: {  	_ =	shalt  }
0x71: {  	_ =	shalt  }
0x72: {  	_ =	shalt  }
0x73: {  	_ =	shalt  }
0x74: {  	_ =	shalt  }
0x75: {  	_ =	shalt  }
0x76: {  	_ =	shalt  }
0x77: {  	_ =	shalt  }
0x78: {  	_ =	shalt  }
0x79: {  	_ =	shalt  }
0x7a: {  	_ =	shalt  }
0x7b: {  	_ =	shalt  }
0x7c: {  	_ =	shalt  }
0x7d: {  	_ =	shalt  }
0x7e: {  	_ =	shalt  }
0x7f: {  	_ =	shalt  }
0x80: {  	_ =	shalt  }
0x81: {  	_ =	shalt  }
0x82: {  	_ =	shalt  }
0x83: {  	_ =	shalt  }
0x84: {  	_ =	shalt  }
0x85: {  	_ =	shalt  }
0x86: {  	_ =	shalt  }
0x87: {  	_ =	shalt  }
.Lfunc_end0:
.L_simem_size_0:
called_computation_lowered:
.L_overlay_start_0:
0x88: {  	s2 =	sld [smem:$0x3FD9]  }
0x89: {  	s3 =	sld [smem:$0x3FFE];
	_ =	sdelay $0x1  }
0x8a: {  	s1 =	srdreg.scid  }
0x8b: {  	s0 =	sand.u32 $0x1, s1  }
0x8c: {  	s17 =	sshll.u32 s0, $0xA;
	s2 =	sadd.s32 s3, s2  }
0x8d: {  	s2 =	sadd.s32 s2, s17  }
0x8e: {  	[smem:$0x3FC3] =	sst s2  }
0x8f: {  	_ = 	snop  }
0x90: {  	s2 =	sld [smem:$0x3FC9]  }
0x91: {  	s18 =	sld [smem:$0x3FC8]  }
0x92: {  	s4 =	sld [smem:$0x3FD0];
	(tm) =	ssettm $0x1  }
0x93: {  	s5 =	sld [smem:$0x3FFB];
	_ =	sdelay $0x3  }
0x94: {  	_ =	strace s5  }
0x95: {  	s5 =	sld [smem:$0x3FFC];
	_ =	sdelay $0x3  }
0x96: {  	_ =	strace s5  }
0x97: {  	s5 =	sld [smem:$0x3FFD];
	_ =	sdelay $0x3  }
0x98: {  	_ =	strace s5  }
0x99: {  	_ =	strace $0x8FFFFFFF  }
0x9a: {  	s19 =	sld [smem:$0x3FDB];
	_ =	sdelay $0x1  }
0x9b: {  	s6 =	simm.s32 $_scs_section_size  }
0x9c: {  	s7 =	simm.s32 $_size__tile_overlayer_lowered;
	s8 =	simm.s32 $_tile_overlayer_lowered  }
0x9d: {  	s22 =	simm.s32 $0x1BFF;
	s21 =	sshll.u32 s8, $0x1;
	s5 =	sadd.s32 s6, s19  }
0x9e: {  	s9 =	simm.s32 $0x0;
	s20 =	sshll.u32 s7, $0x1;
	s7 =	sadd.s32 s21, s5  }
0x9f: {  	[timem:s9], [sflag:s22] =	dma.local [hbm:s7], s20  }
0xa0: {  	_ =	swait.ge [sflag:s22], s20  }
0xa1: {  	s6 =	ssub.s32 $0x0, s20;
	[sflag:s22] =	ssyncset.done $0x0  }
0xa2: {  	[sflag:s22] =	ssyncadd.s32 s6;
	_ =	sdelay $0x1  }
0xa3: {  	s23 =	simm.s32 $0x1B8B  }
0xa4: {  	_ =	swait.ge [sflag:s23], $0x1  }
0xa5: {  	[sflag:s23] =	ssyncset.done $0x0  }
0xa6: {  	s25 =	simm.s32 $0x1B8E;
	s24 =	sld [smem:$0x3FFE];
	[sflag:s23] =	ssyncadd.s32 $0xFFFFFFFF  }
0xa7: {  	s26 =	simm.s32 $execute0_lowered;
	[smem:$0x3FD2] =	sst s25  }
0xa8: {  	s7 =	sshll.u32 s26, $0x1;
	_ =	strace $0x80000046;
	[dreg:$0x1] =	wrdreg $0xFFFFFFFF  }
0xa9: {  	s28 =	simm.s32 $_size_execute0_lowered;
	s5 =	sadd.s32 s5, s7;
	[dreg:$0x0] =	wrdreg $0x0  }
0xaa: {  	s7 =	sshll.u32 s28, $0x1;
	[dreg:$0x2] =	wrdreg s5  }
0xab: {  	[dreg:$0x3] =	wrdreg s7  }
0xac: {  	[dreg:$0x4] =	wrdreg $0xC0  }
0xad: {  	_ =	task [dreg:s9], $0x5FFFF  }
0xae: {  	[dreg:$0x1] =	wrdreg $0xFFFFFFFF  }
0xaf: {  	[dreg:$0x0] =	wrdreg $0x60  }
0xb0: {  	[dreg:$0x2] =	wrdreg s2  }
0xb1: {  	[dreg:$0x3] =	wrdreg s18  }
0xb2: {  	[dreg:$0x4] =	wrdreg s24  }
0xb3: {  	[dreg:$0x5] =	wrdreg s4  }
0xb4: {  	[dreg:$0x6] =	wrdreg $0x9  }
0xb5: {  	_ =	task.clear_ibuf [dreg:s9], $0x7FFFF;
	_ =	strace $0x90000046  }
0xb6: {  	s29 =	simm.s32 $0x9;
	_ =	strace $0x80000048  }
0xb7: {  	_ =	swait.ge [sflag:s29], $0x1  }
0xb8: {  	[sflag:s29] =	ssyncadd.s32 $0xFFFFFFFF  }
0xb9: {  	_ =	strace $0x90000048  }
0xba: {  	_ =	sfence  }
0xbb: {  	s30 =	sld [smem:$0x0];
	_ =	sdelay $0x2  }
0xbc: {  	s31 =	sshll.u32 s1, $0xD;
	s1 =	sshrl.u32 s1, $0x2  }
0xbd: {  	s3 =	sand.u32 $0x4000, s31;
	s1 =	sadd.s32 s1, s30  }
0xbe: {  	s0 =	sor.u32 s3, s0;
	s1 =	sshll.u32 s1, $0x11  }
0xbf: {  	s0 =	sor.u32 s1, s0  }
0xc0: {  	s0 =	sadd.s32 $0x8F2B, s0  }
0xc1: {  	[sflag:s0] =	ssyncadd.remote.s32 $0x1  }
0xc2: {  	_ =	sfence.sel $0xFFFF  }
0xc3: {  	[dreg:$0x0] =	wrdreg $0xFFFFFFFF;
	(pc) =	sbr.abs _section_cstart, $3  }
0xc4: {  	[dreg:$0x1] =	wrdreg $0xFFFFFFFF  }
0xc5: {  	_ =	task.clear_ibuf [dreg:s9], $0x2FFFF;
	_ =	strace $0x9FFFFFFF  }
0xc6: {  	(tm) =	ssettm $0x7FFFFFFF  }
0xc7: {  	_ =	shalt  }
tec
execute0_lowered:
.L_overlay_start_1:
0x0: {  	(tag) =	ssettag $0x1  }
0x1: {  	s0 =	rddreg [dreg:$0x0]  }
0x2: {  	s2 =	rddreg [dreg:$0x1]  }
0x3: {  	s5 =	rddreg [dreg:$0x2]  }
0x4: {  	s8 =	rddreg [dreg:$0x3];
	s1 =	simm.s32 $0x0  }
0x5: {  	s4 =	srdreg.scid;
	s7 =	stileid.u32;
	s11 =	simm.s32 $0x200  }
0x6: {  	s12 =	simm.s32 $0x8400;
	s13 =	simm.s32 $0x80;
	s14 =	simm.s32 $0x400  }
0x7: {  	s15 =	simm.s32 $0x4400;
	s16 =	simm.s32 $0x1400;
	s17 =	simm.s32 $0x280  }
0x8: {  	s18 =	simm.s32 $0x5400;
	s19 =	simm.s32 $0x100;
	s20 =	simm.s32 $0x2400  }
0x9: {  	s21 =	simm.s32 $0x300;
	s22 =	simm.s32 $0x6400;
	s23 =	simm.s32 $0x180  }
0xa: {  	s24 =	simm.s32 $0x3400;
	s25 =	simm.s32 $0x380;
	s26 =	simm.s32 $0x7400  }
0xb: {  	s28 =	simm.s32 $0x1;
	s29 =	simm.s32 $0x2;
	s30 =	simm.s32 $0x8600  }
0xc: {  	s31 =	simm.s32 $0x0;
	[smem:$0x7FF] =	sst s1;
	s3 =	sadd.s32 $0xF42C00, s5  }
0xd: {  	s4 =	sand.u32 $0x1, s4;
	s7 =	sshll.u32 s7, $0x7;
	_ =	strace $0x80000047  }
0xe: {  	v0 =	vlaneseq.u32;
	s6 =	ssub.s32 $0x2, s4;
	s9 =	sshll.u32 s4, $0x6;
	s4 =	sadd.s32 $0x187200, s5  }
0xf: {  	v0 =	vmul.u32 $0x20, v0;
	s5 =	sadd.s32 $0x800, s5;
	s10 =	sshrl.u32 s6, $0x1;
	s9 =	sor.u32 s9, s7  }
0x10: {  	s10 =	ssub.s32 s6, s10;
	s6 =	sadd.s32 s0, s9;
	s7 =	sadd.s32 s2, s9  }
0x11: {  	[tilespmem:$0x1FFF0] =	vst v0;
	s8 =	sadd.s32 s8, s9;
	s9 =	smax.u32 s10, $0x1;
	s10 =	simm.s32 $0x3  }
.LBB2_1:
0x12: {  	[tilespmem:s1], [sflag:$0x3] =	stream.linear.gather [hbm4b:s6+s1], $0x200, $0x38;
	[tilespmem:$0x8800] =	vst v63  }
0x13: {  	_ =	swait.ge [sflag:s10], $0x200  }
0x14: {  	[sflag:s10] =	ssyncset.done $0x0  }
0x15: {  	[sflag:s10] =	ssyncadd.s32 $0xFFFFFE00  }
0x16: {  	[tilespmem:s11], [sflag:$0x3] =	stream.linear.gather [hbm4b:s7+s1], $0x200, $0x38;
	[tilespmem:$0x8800] =	vst v63  }
0x17: {  	_ =	swait.ge [sflag:s10], $0x200  }
0x18: {  	[sflag:s10] =	ssyncset.done $0x0  }
0x19: {  	[sflag:s10] =	ssyncadd.s32 $0xFFFFFE00  }
0x1a: {  	[tilespmem:s12], [sflag:$0x3] =	stream.linear.gather [hbm4b:s5+s1], $0x200, $0x38;
	[tilespmem:$0x8800] =	vst v63  }
0x1b: {  	_ =	swait.ge [sflag:s10], $0x200  }
0x1c: {  	[sflag:s10] =	ssyncset.done $0x0  }
0x1d: {  	[sflag:s10] =	ssyncadd.s32 $0xFFFFFE00  }
0x1e: {  	[tilespmem:s14], [sflag:$0x1] =	stream.indirect.gather [hbm4b:s3+s13], $0x20, s1, s13, $0xb8;
	[tilespmem:$0x8800] =	vst v63  }
0x1f: {  	_ = 	snop  }
0x20: {  	[tilespmem:s15], [sflag:$0x2] =	stream.indirect.gather [hbm4b:s4+s13], $0x20, s11, s13, $0xb8;
	[tilespmem:$0x8800] =	vst v63  }
0x21: {  	_ = 	snop  }
0x22: {  	[tilespmem:s16], [sflag:$0x1] =	stream.indirect.gather [hbm4b:s3+s13], $0x20, s13, s13, $0xb8;
	[tilespmem:$0x8800] =	vst v63  }
0x23: {  	_ = 	snop  }
0x24: {  	[tilespmem:s18], [sflag:$0x2] =	stream.indirect.gather [hbm4b:s4+s13], $0x20, s17, s13, $0xb8;
	[tilespmem:$0x8800] =	vst v63  }
0x25: {  	_ = 	snop  }
0x26: {  	[tilespmem:s20], [sflag:$0x1] =	stream.indirect.gather [hbm4b:s3+s13], $0x20, s19, s13, $0xb8;
	[tilespmem:$0x8800] =	vst v63  }
0x27: {  	_ = 	snop  }
0x28: {  	[tilespmem:s22], [sflag:$0x2] =	stream.indirect.gather [hbm4b:s4+s13], $0x20, s21, s13, $0xb8;
	[tilespmem:$0x8800] =	vst v63  }
0x29: {  	_ = 	snop  }
0x2a: {  	[tilespmem:s24], [sflag:$0x1] =	stream.indirect.gather [hbm4b:s3+s13], $0x20, s23, s13, $0xb8;
	[tilespmem:$0x8800] =	vst v63  }
0x2b: {  	_ = 	snop  }
0x2c: {  	[tilespmem:s26], [sflag:$0x2] =	stream.indirect.gather [hbm4b:s4+s13], $0x20, s25, s13, $0xb8;
	[tilespmem:$0x8800] =	vst v63  }
0x2d: {  	_ =	swait.ge [sflag:s28], $0x1000  }
0x2e: {  	[sflag:s28] =	ssyncset.done $0x0  }
0x2f: {  	[sflag:s28] =	ssyncadd.s32 $0xFFFFF000  }
0x30: {  	_ =	swait.ge [sflag:s29], $0x1000  }
0x31: {  	[sflag:s29] =	ssyncset.done $0x0  }
0x32: {  	[sflag:s29] =	ssyncadd.s32 $0xFFFFF000  }
0x33: {  	_ =	swait.ge [sflag:s28], $0x1000  }
0x34: {  	[sflag:s28] =	ssyncset.done $0x0  }
0x35: {  	[sflag:s28] =	ssyncadd.s32 $0xFFFFF000  }
0x36: {  	_ =	swait.ge [sflag:s29], $0x1000  }
0x37: {  	[sflag:s29] =	ssyncset.done $0x0  }
0x38: {  	[sflag:s29] =	ssyncadd.s32 $0xFFFFF000  }
0x39: {  	_ =	swait.ge [sflag:s28], $0x1000  }
0x3a: {  	[sflag:s28] =	ssyncset.done $0x0  }
0x3b: {  	[sflag:s28] =	ssyncadd.s32 $0xFFFFF000  }
0x3c: {  	_ =	swait.ge [sflag:s29], $0x1000  }
0x3d: {  	v1 =	vmov s1;
	[sflag:s29] =	ssyncset.done $0x0  }
0x3e: {  	v1 =	vshll.u32 v1, $0x5;
	[sflag:s29] =	ssyncadd.s32 $0xFFFFF000  }
0x3f: {  	v27 =	vor.u32 v0, v1;
	_ =	swait.ge [sflag:s28], $0x1000  }
0x40: {  	v5 =	vor.u32 $0x1F, v27;
	[sflag:s28] =	ssyncset.done $0x0  }
0x41: {  	v8 =	vor.u32 $0x1C, v27;
	[sflag:s28] =	ssyncadd.s32 $0xFFFFF000  }
0x42: {  	v10 =	vor.u32 $0x1B, v27;
	_ =	swait.ge [sflag:s29], $0x1000  }
0x43: {  	v12 =	vor.u32 $0x1A, v27;
	[sflag:s29] =	ssyncset.done $0x0  }
0x44: {  	v14 =	vor.u32 $0x19, v27;
	[sflag:s29] =	ssyncadd.s32 $0xFFFFF000  }
0x45: {  	v16 =	vor.u32 $0x18, v27;
	v1 =	vld.idx.msk [tilespmem:v5+s14+$0x0], $0xffff  }
0x46: {  	v18 =	vor.u32 $0x17, v27;
	v7 =	vld.idx.msk [tilespmem:v8+s14+$0x0], $0xffff  }
0x47: {  	v20 =	vor.u32 $0x16, v27;
	v9 =	vld.idx.msk [tilespmem:v10+s14+$0x0], $0xffff  }
0x48: {  	v22 =	vor.u32 $0x15, v27;
	v11 =	vld.idx.msk [tilespmem:v12+s14+$0x0], $0xffff  }
0x49: {  	v24 =	vor.u32 $0x14, v27;
	v13 =	vld.idx.msk [tilespmem:v14+s14+$0x0], $0xffff  }
0x4a: {  	v26 =	vor.u32 $0x13, v27;
	v15 =	vld.idx.msk [tilespmem:v16+s14+$0x0], $0xffff  }
0x4b: {  	v28 =	vor.u32 $0x12, v27;
	v17 =	vld.idx.msk [tilespmem:v18+s14+$0x0], $0xffff  }
0x4c: {  	v29 =	vor.u32 $0x11, v27;
	v19 =	vld.idx.msk [tilespmem:v20+s14+$0x0], $0xffff  }
0x4d: {  	v30 =	vor.u32 $0x10, v27;
	v21 =	vld.idx.msk [tilespmem:v22+s14+$0x0], $0xffff  }
0x4e: {  	v31 =	vor.u32 $0xF, v27;
	v23 =	vld.idx.msk [tilespmem:v24+s14+$0x0], $0xffff  }
0x4f: {  	v32 =	vor.u32 $0xE, v27;
	v25 =	vld.idx.msk [tilespmem:v26+s14+$0x0], $0xffff  }
0x50: {  	v33 =	vor.u32 $0xD, v27;
	v34 =	vld.idx.msk [tilespmem:v28+s14+$0x0], $0xffff  }
0x51: {  	v35 =	vor.u32 $0xC, v27;
	v36 =	vld.idx.msk [tilespmem:v29+s14+$0x0], $0xffff  }
0x52: {  	v37 =	vor.u32 $0xB, v27;
	v38 =	vld.idx.msk [tilespmem:v30+s14+$0x0], $0xffff  }
0x53: {  	v39 =	vor.u32 $0xA, v27;
	v40 =	vld.idx.msk [tilespmem:v31+s14+$0x0], $0xffff  }
0x54: {  	v41 =	vor.u32 $0x9, v27;
	v42 =	vld.idx.msk [tilespmem:v32+s14+$0x0], $0xffff  }
0x55: {  	v43 =	vor.u32 $0x8, v27;
	v44 =	vld.idx.msk [tilespmem:v33+s14+$0x0], $0xffff  }
0x56: {  	v45 =	vor.u32 $0x7, v27;
	v46 =	vld.idx.msk [tilespmem:v35+s14+$0x0], $0xffff  }
0x57: {  	v47 =	vor.u32 $0x6, v27;
	v48 =	vld.idx.msk [tilespmem:v37+s14+$0x0], $0xffff  }
0x58: {  	v4 =	vor.u32 $0x1E, v27;
	v50 =	vld.idx.msk [tilespmem:v39+s14+$0x0], $0xffff  }
0x59: {  	v49 =	vor.u32 $0x5, v27;
	v51 =	vld.idx.msk [tilespmem:v41+s14+$0x0], $0xffff  }
0x5a: {  	v52 =	vor.u32 $0x3, v27;
	v53 =	vld.idx.msk [tilespmem:v43+s14+$0x0], $0xffff  }
0x5b: {  	v54 =	vor.u32 $0x2, v27;
	v55 =	vld.idx.msk [tilespmem:v45+s14+$0x0], $0xffff  }
0x5c: {  	v56 =	vld.idx.msk [tilespmem:v47+s14+$0x0], $0xffff  }
0x5d: {  	v6 =	vor.u32 $0x1D, v27;
	[tilespmem:$0x1FFC0] =	vst v1;
	v1 =	vld.idx.msk [tilespmem:v4+s14+$0x0], $0xffff  }
0x5e: {  	v57 =	vld.idx.msk [tilespmem:v49+s14+$0x0], $0xffff  }
0x5f: {  	v58 =	vor.u32 $0x1, v27;
	v59 =	vld.idx.msk [tilespmem:v52+s14+$0x0], $0xffff  }
0x60: {  	v60 =	vld.idx.msk [tilespmem:v54+s14+$0x0], $0xffff  }
0x61: {  	v61 =	vld.idx.msk [tilespmem:v27+s15+$0x0], $0xffff  }
0x62: {  	[tilespmem:$0x1FFB0] =	vst v1;
	v1 =	vld.idx.msk [tilespmem:v6+s14+$0x0], $0xffff  }
0x63: {  	v62 =	vld.idx.msk [tilespmem:v27+s14+$0x0], $0xffff  }
0x64: {  	v63 =	vld.idx.msk [tilespmem:v58+s14+$0x0], $0xffff  }
0x65: {  	v58 =	vld.idx.msk [tilespmem:v58+s15+$0x0], $0xffff  }
0x66: {  	v27 =	vor.u32 $0x4, v27;
	v54 =	vld.idx.msk [tilespmem:v54+s15+$0x0], $0xffff  }
0x67: {  	[tilespmem:$0x1FFA0] =	vst v1;
	v1 =	vld [tilespmem:$0x8400]  }
0x68: {  	v52 =	vld.idx.msk [tilespmem:v52+s15+$0x0], $0xffff  }
0x69: {  	v2 =	vld [tilespmem:$0x8410]  }
0x6a: {  	v3 =	vld [tilespmem:$0x8420];
	v61 =	vmul.f32 v61, v62  }
0x6b: {  	v62 =	vld.idx.msk [tilespmem:v27+s14+$0x0], $0xffff  }
0x6c: {  	v58 =	vmul.f32 v58, v63;
	v27 =	vld.idx.msk [tilespmem:v27+s15+$0x0], $0xffff;
	v1 =	vmul.f32 v1, v61  }
0x6d: {  	v61 =	vld [tilespmem:$0x8430]  }
0x6e: {  	v49 =	vld.idx.msk [tilespmem:v49+s15+$0x0], $0xffff;
	v54 =	vmul.f32 v54, v60;
	v2 =	vmul.f32 v2, v58;
	v1 =	vadd.f32 $0.0e+00, v1  }
0x6f: {  	v58 =	vld [tilespmem:$0x8440]  }
0x70: {  	v47 =	vld.idx.msk [tilespmem:v47+s15+$0x0], $0xffff;
	v1 =	vadd.f32 v2, v1;
	v2 =	vmul.f32 v3, v54;
	v3 =	vmul.f32 v52, v59  }
0x71: {  	v60 =	vld [tilespmem:$0x8450]  }
0x72: {  	v63 =	vld [tilespmem:$0x8460];
	v1 =	vadd.f32 v2, v1;
	v2 =	vmul.f32 v61, v3;
	v3 =	vmul.f32 v27, v62  }
0x73: {  	v27 =	vld.idx.msk [tilespmem:v45+s15+$0x0], $0xffff  }
0x74: {  	v43 =	vld.idx.msk [tilespmem:v43+s15+$0x0], $0xffff;
	v1 =	vadd.f32 v2, v1;
	v2 =	vmul.f32 v58, v3;
	v3 =	vmul.f32 v49, v57  }
0x75: {  	v54 =	vld [tilespmem:$0x8470]  }
0x76: {  	v41 =	vld.idx.msk [tilespmem:v41+s15+$0x0], $0xffff;
	v1 =	vadd.f32 v2, v1;
	v2 =	vmul.f32 v60, v3;
	v3 =	vmul.f32 v47, v56  }
0x77: {  	v56 =	vld [tilespmem:$0x8480]  }
0x78: {  	v57 =	vld [tilespmem:$0x8490];
	v1 =	vadd.f32 v2, v1;
	v2 =	vmul.f32 v63, v3;
	v3 =	vmul.f32 v27, v55  }
0x79: {  	v27 =	vld.idx.msk [tilespmem:v39+s15+$0x0], $0xffff  }
0x7a: {  	v37 =	vld.idx.msk [tilespmem:v37+s15+$0x0], $0xffff;
	v1 =	vadd.f32 v2, v1;
	v2 =	vmul.f32 v54, v3;
	v3 =	vmul.f32 v43, v53  }
0x7b: {  	v58 =	vld [tilespmem:$0x84A0]  }
0x7c: {  	v35 =	vld.idx.msk [tilespmem:v35+s15+$0x0], $0xffff;
	v1 =	vadd.f32 v2, v1;
	v2 =	vmul.f32 v56, v3;
	v3 =	vmul.f32 v41, v51  }
0x7d: {  	v59 =	vld [tilespmem:$0x84B0]  }
0x7e: {  	v60 =	vld [tilespmem:$0x84C0];
	v1 =	vadd.f32 v2, v1;
	v2 =	vmul.f32 v57, v3;
	v3 =	vmul.f32 v27, v50  }
0x7f: {  	v27 =	vld.idx.msk [tilespmem:v33+s15+$0x0], $0xffff  }
0x80: {  	v32 =	vld.idx.msk [tilespmem:v32+s15+$0x0], $0xffff;
	v1 =	vadd.f32 v2, v1;
	v2 =	vmul.f32 v58, v3;
	v3 =	vmul.f32 v37, v48  }
0x81: {  	v61 =	vld [tilespmem:$0x84D0]  }
0x82: {  	v31 =	vld.idx.msk [tilespmem:v31+s15+$0x0], $0xffff;
	v1 =	vadd.f32 v2, v1;
	v2 =	vmul.f32 v59, v3;
	v3 =	vmul.f32 v35, v46  }
0x83: {  	v62 =	vld [tilespmem:$0x84E0]  }
0x84: {  	v1 =	vadd.f32 v2, v1;
	v2 =	vmul.f32 v60, v3;
	v3 =	vmul.f32 v27, v44;
	v27 =	vld.idx.msk [tilespmem:v30+s15+$0x0], $0xffff  }
0x85: {  	v30 =	vld [tilespmem:$0x84F0]  }
0x86: {  	v29 =	vld.idx.msk [tilespmem:v29+s15+$0x0], $0xffff;
	v1 =	vadd.f32 v2, v1;
	v2 =	vmul.f32 v61, v3;
	v3 =	vmul.f32 v32, v42  }
0x87: {  	v63 =	vld [tilespmem:$0x8500]  }
0x88: {  	v28 =	vld.idx.msk [tilespmem:v28+s15+$0x0], $0xffff;
	v1 =	vadd.f32 v2, v1;
	v2 =	vmul.f32 v62, v3;
	v3 =	vmul.f32 v31, v40  }
0x89: {  	v31 =	vld [tilespmem:$0x8510]  }
0x8a: {  	v26 =	vld.idx.msk [tilespmem:v26+s15+$0x0], $0xffff;
	v1 =	vadd.f32 v2, v1;
	v2 =	vmul.f32 v30, v3;
	v3 =	vmul.f32 v27, v38  }
0x8b: {  	v27 =	vld [tilespmem:$0x8520]  }
0x8c: {  	v24 =	vld.idx.msk [tilespmem:v24+s15+$0x0], $0xffff;
	v1 =	vadd.f32 v2, v1;
	v2 =	vmul.f32 v63, v3;
	v3 =	vmul.f32 v29, v36  }
0x8d: {  	v29 =	vld [tilespmem:$0x8530]  }
0x8e: {  	v22 =	vld.idx.msk [tilespmem:v22+s15+$0x0], $0xffff;
	v1 =	vadd.f32 v2, v1;
	v2 =	vmul.f32 v31, v3;
	v3 =	vmul.f32 v28, v34  }
0x8f: {  	v28 =	vld [tilespmem:$0x8540]  }
0x90: {  	v20 =	vld.idx.msk [tilespmem:v20+s15+$0x0], $0xffff;
	v1 =	vadd.f32 v2, v1;
	v2 =	vmul.f32 v27, v3;
	v3 =	vmul.f32 v26, v25  }
0x91: {  	v25 =	vld [tilespmem:$0x8550]  }
0x92: {  	v18 =	vld.idx.msk [tilespmem:v18+s15+$0x0], $0xffff;
	v1 =	vadd.f32 v2, v1;
	v2 =	vmul.f32 v29, v3;
	v3 =	vmul.f32 v24, v23  }
0x93: {  	v23 =	vld [tilespmem:$0x8560]  }
0x94: {  	v16 =	vld.idx.msk [tilespmem:v16+s15+$0x0], $0xffff;
	v1 =	vadd.f32 v2, v1;
	v2 =	vmul.f32 v28, v3;
	v3 =	vmul.f32 v22, v21  }
0x95: {  	v21 =	vld [tilespmem:$0x8570]  }
0x96: {  	v14 =	vld.idx.msk [tilespmem:v14+s15+$0x0], $0xffff;
	v1 =	vadd.f32 v2, v1;
	v2 =	vmul.f32 v25, v3;
	v3 =	vmul.f32 v20, v19  }
0x97: {  	v19 =	vld [tilespmem:$0x8580]  }
0x98: {  	v12 =	vld.idx.msk [tilespmem:v12+s15+$0x0], $0xffff;
	v1 =	vadd.f32 v2, v1;
	v2 =	vmul.f32 v23, v3;
	v3 =	vmul.f32 v18, v17  }
0x99: {  	v17 =	vld [tilespmem:$0x8590]  }
0x9a: {  	v10 =	vld.idx.msk [tilespmem:v10+s15+$0x0], $0xffff;
	v1 =	vadd.f32 v2, v1;
	v2 =	vmul.f32 v21, v3;
	v3 =	vmul.f32 v16, v15  }
0x9b: {  	v15 =	vld [tilespmem:$0x85A0]  }
0x9c: {  	v8 =	vld.idx.msk [tilespmem:v8+s15+$0x0], $0xffff;
	v1 =	vadd.f32 v2, v1;
	v2 =	vmul.f32 v19, v3;
	v3 =	vmul.f32 v14, v13  }
0x9d: {  	v13 =	vld [tilespmem:$0x85B0]  }
0x9e: {  	v1 =	vadd.f32 v2, v1;
	v2 =	vmul.f32 v17, v3;
	v3 =	vmul.f32 v12, v11  }
0x9f: {  	v11 =	vld [tilespmem:$0x85C0]  }
0xa0: {  	v1 =	vadd.f32 v2, v1;
	v2 =	vmul.f32 v15, v3;
	v3 =	vmul.f32 v10, v9;
	_ =	sdelay $0x1  }
0xa1: {  	v1 =	vadd.f32 v2, v1;
	v2 =	vmul.f32 v13, v3;
	v3 =	vmul.f32 v8, v7  }
0xa2: {  	v6 =	vld.idx.msk [tilespmem:v6+s15+$0x0], $0xffff  }
0xa3: {  	v1 =	vadd.f32 v2, v1;
	v2 =	vmul.f32 v11, v3;
	v3 =	vld [tilespmem:$0x1FFA0];
	_ =	sdelay $0x1  }
0xa4: {  	v9 =	vld [tilespmem:$0x85D0];
	_ =	sdelay $0x2  }
0xa5: {  	v5 =	vld.idx.msk [tilespmem:v5+s15+$0x0], $0xffff;
	v3 =	vmul.f32 v6, v3  }
0xa6: {  	v4 =	vld.idx.msk [tilespmem:v4+s15+$0x0], $0xffff  }
0xa7: {  	v1 =	vadd.f32 v2, v1;
	v2 =	vmul.f32 v9, v3;
	v3 =	vld [tilespmem:$0x1FFB0]  }
0xa8: {  	v7 =	vld [tilespmem:$0x85E0]  }
0xa9: {  	v1 =	vadd.f32 v2, v1;
	v2 =	vld [tilespmem:$0x1FFC0];
	_ =	sdelay $0x1  }
0xaa: {  	v8 =	vld [tilespmem:$0x85F0]  }
0xab: {  	s0 =	simm.s32 $0x10;
	v3 =	vmul.f32 v4, v3  }
0xac: {  	v6 =	vmov s0  }
0xad: {  	v4 =	vshll.u32 v6, $0x5;
	v3 =	vmul.f32 v7, v3;
	v5 =	vmul.f32 v5, v2  }
0xae: {  	v44 =	vor.u32 v0, v4  }
0xaf: {  	v2 =	vor.u32 $0x1F, v44;
	v1 =	vadd.f32 v3, v1;
	v3 =	vmul.f32 v8, v5  }
0xb0: {  	v6 =	vor.u32 $0x1D, v44  }
0xb1: {  	v8 =	vor.u32 $0x1C, v44;
	v1 =	vadd.f32 v3, v1  }
0xb2: {  	v10 =	vor.u32 $0x1B, v44  }
0xb3: {  	v12 =	vor.u32 $0x1A, v44;
	[tilespmem:s30+$0x0] =	vst v1  }
0xb4: {  	v14 =	vor.u32 $0x19, v44;
	v1 =	vld.idx.msk [tilespmem:v2+s14+$0x0], $0xffff  }
0xb5: {  	v16 =	vor.u32 $0x18, v44;
	v5 =	vld.idx.msk [tilespmem:v6+s14+$0x0], $0xffff  }
0xb6: {  	v18 =	vor.u32 $0x17, v44;
	v7 =	vld.idx.msk [tilespmem:v8+s14+$0x0], $0xffff  }
0xb7: {  	v20 =	vor.u32 $0x16, v44;
	v9 =	vld.idx.msk [tilespmem:v10+s14+$0x0], $0xffff  }
0xb8: {  	v22 =	vor.u32 $0x15, v44;
	v11 =	vld.idx.msk [tilespmem:v12+s14+$0x0], $0xffff  }
0xb9: {  	v24 =	vor.u32 $0x14, v44;
	v13 =	vld.idx.msk [tilespmem:v14+s14+$0x0], $0xffff  }
0xba: {  	v26 =	vor.u32 $0x13, v44;
	v15 =	vld.idx.msk [tilespmem:v16+s14+$0x0], $0xffff  }
0xbb: {  	v28 =	vor.u32 $0x12, v44;
	v17 =	vld.idx.msk [tilespmem:v18+s14+$0x0], $0xffff  }
0xbc: {  	v30 =	vor.u32 $0x11, v44;
	v19 =	vld.idx.msk [tilespmem:v20+s14+$0x0], $0xffff  }
0xbd: {  	v32 =	vor.u32 $0x10, v44;
	v21 =	vld.idx.msk [tilespmem:v22+s14+$0x0], $0xffff  }
0xbe: {  	v34 =	vor.u32 $0xF, v44;
	v23 =	vld.idx.msk [tilespmem:v24+s14+$0x0], $0xffff  }
0xbf: {  	v36 =	vor.u32 $0xE, v44;
	v25 =	vld.idx.msk [tilespmem:v26+s14+$0x0], $0xffff  }
0xc0: {  	v38 =	vor.u32 $0xD, v44;
	v27 =	vld.idx.msk [tilespmem:v28+s14+$0x0], $0xffff  }
0xc1: {  	v40 =	vor.u32 $0xC, v44;
	v29 =	vld.idx.msk [tilespmem:v30+s14+$0x0], $0xffff  }
0xc2: {  	v4 =	vor.u32 $0x1E, v44;
	v31 =	vld.idx.msk [tilespmem:v32+s14+$0x0], $0xffff  }
0xc3: {  	v42 =	vor.u32 $0xB, v44;
	v33 =	vld.idx.msk [tilespmem:v34+s14+$0x0], $0xffff  }
0xc4: {  	v45 =	vor.u32 $0xA, v44;
	v35 =	vld.idx.msk [tilespmem:v36+s14+$0x0], $0xffff  }
0xc5: {  	v47 =	vor.u32 $0x9, v44;
	v37 =	vld.idx.msk [tilespmem:v38+s14+$0x0], $0xffff  }
0xc6: {  	v49 =	vor.u32 $0x8, v44;
	v39 =	vld.idx.msk [tilespmem:v40+s14+$0x0], $0xffff  }
0xc7: {  	v51 =	vor.u32 $0x7, v44;
	[tilespmem:$0x1FFD0] =	vst v1;
	v1 =	vld.idx.msk [tilespmem:v4+s14+$0x0], $0xffff  }
0xc8: {  	v41 =	vld.idx.msk [tilespmem:v42+s14+$0x0], $0xffff  }
0xc9: {  	v43 =	vld.idx.msk [tilespmem:v45+s14+$0x0], $0xffff  }
0xca: {  	v46 =	vld.idx.msk [tilespmem:v47+s14+$0x0], $0xffff  }
0xcb: {  	v52 =	vor.u32 $0x6, v44;
	v53 =	vor.u32 $0x5, v44;
	v48 =	vld.idx.msk [tilespmem:v49+s14+$0x0], $0xffff  }
0xcc: {  	s2 =	simm.s32 $0x20;
	s0 =	simm.s32 $0x8600;
	v54 =	vor.u32 $0x4, v44;
	v55 =	vor.u32 $0x3, v44;
	v56 =	vor.u32 $0x2, v44;
	v50 =	vld.idx.msk [tilespmem:v51+s14+$0x0], $0xffff;
	[tilespmem:$0x1FFE0] =	vst v1  }
.LBB2_2:
0xcd: {  	_ =	sdelay $0x2  }
0xce: {  	v57 =	vld.idx.msk [tilespmem:v52+s14+$0x0], $0xffff  }
0xcf: {  	v58 =	vld.idx.msk [tilespmem:v53+s14+$0x0], $0xffff  }
0xd0: {  	v60 =	vld.idx.msk [tilespmem:v54+s14+$0x0], $0xffff  }
0xd1: {  	v59 =	vor.u32 $0x1, v44;
	v61 =	vld.idx.msk [tilespmem:v55+s14+$0x0], $0xffff  }
0xd2: {  	v62 =	vld.idx.msk [tilespmem:v56+s14+$0x0], $0xffff  }
0xd3: {  	v63 =	vld.idx.msk [tilespmem:v44+s15+$0x0], $0xffff  }
0xd4: {  	v44 =	vld.idx.msk [tilespmem:v44+s14+$0x0], $0xffff  }
0xd5: {  	v1 =	vld [tilespmem:$0x8400]  }
0xd6: {  	v0 =	vld.idx.msk [tilespmem:v59+s14+$0x0], $0xffff  }
0xd7: {  	v59 =	vld.idx.msk [tilespmem:v59+s15+$0x0], $0xffff  }
0xd8: {  	v56 =	vld.idx.msk [tilespmem:v56+s15+$0x0], $0xffff  }
0xd9: {  	v3 =	vld [tilespmem:$0x8410]  }
0xda: {  	v55 =	vld.idx.msk [tilespmem:v55+s15+$0x0], $0xffff;
	v44 =	vmul.f32 v63, v44  }
0xdb: {  	v63 =	vld [tilespmem:$0x8420]  }
0xdc: {  	v1 =	vmul.f32 v1, v44;
	v44 =	vld.idx.msk [tilespmem:v54+s15+$0x0], $0xffff;
	v0 =	vmul.f32 v59, v0  }
0xdd: {  	v54 =	vld [tilespmem:$0x8430]  }
0xde: {  	v53 =	vld.idx.msk [tilespmem:v53+s15+$0x0], $0xffff;
	v1 =	vadd.f32 $0.0e+00, v1;
	v0 =	vmul.f32 v3, v0;
	v3 =	vmul.f32 v56, v62  }
0xdf: {  	v62 =	vld [tilespmem:$0x8440]  }
0xe0: {  	v59 =	vld [tilespmem:$0x8450];
	v0 =	vadd.f32 v0, v1;
	v1 =	vmul.f32 v63, v3;
	v3 =	vmul.f32 v55, v61  }
0xe1: {  	v63 =	vld.idx.msk [tilespmem:v52+s15+$0x0], $0xffff  }
0xe2: {  	v61 =	vld [tilespmem:$0x8460];
	v0 =	vadd.f32 v1, v0;
	v1 =	vmul.f32 v54, v3;
	v3 =	vmul.f32 v44, v60  }
0xe3: {  	v60 =	vld.idx.msk [tilespmem:v51+s15+$0x0], $0xffff  }
0xe4: {  	v49 =	vld.idx.msk [tilespmem:v49+s15+$0x0], $0xffff;
	v0 =	vadd.f32 v1, v0;
	v1 =	vmul.f32 v62, v3;
	v3 =	vmul.f32 v53, v58  }
0xe5: {  	v62 =	vld [tilespmem:$0x8470]  }
0xe6: {  	v47 =	vld.idx.msk [tilespmem:v47+s15+$0x0], $0xffff;
	v0 =	vadd.f32 v1, v0;
	v1 =	vmul.f32 v59, v3;
	v3 =	vmul.f32 v63, v57  }
0xe7: {  	v63 =	vld [tilespmem:$0x8480]  }
0xe8: {  	v55 =	vld [tilespmem:$0x8490];
	v0 =	vadd.f32 v1, v0;
	v1 =	vmul.f32 v61, v3;
	v3 =	vmul.f32 v60, v50  }
0xe9: {  	v54 =	vld.idx.msk [tilespmem:v45+s15+$0x0], $0xffff  }
0xea: {  	v42 =	vld.idx.msk [tilespmem:v42+s15+$0x0], $0xffff;
	v0 =	vadd.f32 v1, v0;
	v1 =	vmul.f32 v62, v3;
	v3 =	vmul.f32 v49, v48  }
0xeb: {  	v56 =	vld [tilespmem:$0x84A0]  }
0xec: {  	v40 =	vld.idx.msk [tilespmem:v40+s15+$0x0], $0xffff;
	v0 =	vadd.f32 v1, v0;
	v1 =	vmul.f32 v63, v3;
	v3 =	vmul.f32 v47, v46  }
0xed: {  	v57 =	vld [tilespmem:$0x84B0]  }
0xee: {  	v38 =	vld.idx.msk [tilespmem:v38+s15+$0x0], $0xffff;
	v0 =	vadd.f32 v1, v0;
	v1 =	vmul.f32 v55, v3;
	v3 =	vmul.f32 v54, v43  }
0xef: {  	v58 =	vld [tilespmem:$0x84C0]  }
0xf0: {  	v36 =	vld.idx.msk [tilespmem:v36+s15+$0x0], $0xffff;
	v0 =	vadd.f32 v1, v0;
	v1 =	vmul.f32 v56, v3;
	v3 =	vmul.f32 v42, v41  }
0xf1: {  	v59 =	vld [tilespmem:$0x84D0]  }
0xf2: {  	v34 =	vld.idx.msk [tilespmem:v34+s15+$0x0], $0xffff;
	v0 =	vadd.f32 v1, v0;
	v1 =	vmul.f32 v57, v3;
	v3 =	vmul.f32 v40, v39  }
0xf3: {  	v60 =	vld [tilespmem:$0x84E0]  }
0xf4: {  	v32 =	vld.idx.msk [tilespmem:v32+s15+$0x0], $0xffff;
	v0 =	vadd.f32 v1, v0;
	v1 =	vmul.f32 v58, v3;
	v3 =	vmul.f32 v38, v37  }
0xf5: {  	v61 =	vld [tilespmem:$0x84F0]  }
0xf6: {  	v30 =	vld.idx.msk [tilespmem:v30+s15+$0x0], $0xffff;
	v0 =	vadd.f32 v1, v0;
	v1 =	vmul.f32 v59, v3;
	v3 =	vmul.f32 v36, v35  }
0xf7: {  	v62 =	vld [tilespmem:$0x8500]  }
0xf8: {  	v28 =	vld.idx.msk [tilespmem:v28+s15+$0x0], $0xffff;
	v0 =	vadd.f32 v1, v0;
	v1 =	vmul.f32 v60, v3;
	v3 =	vmul.f32 v34, v33  }
0xf9: {  	v63 =	vld [tilespmem:$0x8510]  }
0xfa: {  	v26 =	vld.idx.msk [tilespmem:v26+s15+$0x0], $0xffff;
	v0 =	vadd.f32 v1, v0;
	v1 =	vmul.f32 v61, v3;
	v3 =	vmul.f32 v32, v31  }
0xfb: {  	v31 =	vld [tilespmem:$0x8520]  }
0xfc: {  	v24 =	vld.idx.msk [tilespmem:v24+s15+$0x0], $0xffff;
	v0 =	vadd.f32 v1, v0;
	v1 =	vmul.f32 v62, v3;
	v3 =	vmul.f32 v30, v29  }
0xfd: {  	v29 =	vld [tilespmem:$0x8530]  }
0xfe: {  	v22 =	vld.idx.msk [tilespmem:v22+s15+$0x0], $0xffff;
	v0 =	vadd.f32 v1, v0;
	v1 =	vmul.f32 v63, v3;
	v3 =	vmul.f32 v28, v27  }
0xff: {  	v27 =	vld [tilespmem:$0x8540]  }
0x100: {  	v20 =	vld.idx.msk [tilespmem:v20+s15+$0x0], $0xffff;
	v0 =	vadd.f32 v1, v0;
	v1 =	vmul.f32 v31, v3;
	v3 =	vmul.f32 v26, v25  }
0x101: {  	v25 =	vld [tilespmem:$0x8550]  }
0x102: {  	v18 =	vld.idx.msk [tilespmem:v18+s15+$0x0], $0xffff;
	v0 =	vadd.f32 v1, v0;
	v1 =	vmul.f32 v29, v3;
	v3 =	vmul.f32 v24, v23  }
0x103: {  	v23 =	vld [tilespmem:$0x8560]  }
0x104: {  	v16 =	vld.idx.msk [tilespmem:v16+s15+$0x0], $0xffff;
	v0 =	vadd.f32 v1, v0;
	v1 =	vmul.f32 v27, v3;
	v3 =	vmul.f32 v22, v21  }
0x105: {  	v21 =	vld [tilespmem:$0x8570]  }
0x106: {  	v14 =	vld.idx.msk [tilespmem:v14+s15+$0x0], $0xffff;
	v0 =	vadd.f32 v1, v0;
	v1 =	vmul.f32 v25, v3;
	v3 =	vmul.f32 v20, v19  }
0x107: {  	v19 =	vld [tilespmem:$0x8580]  }
0x108: {  	v12 =	vld.idx.msk [tilespmem:v12+s15+$0x0], $0xffff;
	v0 =	vadd.f32 v1, v0;
	v1 =	vmul.f32 v23, v3;
	v3 =	vmul.f32 v18, v17  }
0x109: {  	v17 =	vld [tilespmem:$0x8590]  }
0x10a: {  	v10 =	vld.idx.msk [tilespmem:v10+s15+$0x0], $0xffff;
	v0 =	vadd.f32 v1, v0;
	v1 =	vmul.f32 v21, v3;
	v3 =	vmul.f32 v16, v15  }
0x10b: {  	v15 =	vld [tilespmem:$0x85A0]  }
0x10c: {  	v8 =	vld.idx.msk [tilespmem:v8+s15+$0x0], $0xffff;
	v0 =	vadd.f32 v1, v0;
	v1 =	vmul.f32 v19, v3;
	v3 =	vmul.f32 v14, v13  }
0x10d: {  	v13 =	vld [tilespmem:$0x85B0]  }
0x10e: {  	v6 =	vld.idx.msk [tilespmem:v6+s15+$0x0], $0xffff;
	v0 =	vadd.f32 v1, v0;
	v1 =	vmul.f32 v17, v3;
	v3 =	vmul.f32 v12, v11  }
0x10f: {  	v11 =	vld [tilespmem:$0x85C0]  }
0x110: {  	v0 =	vadd.f32 v1, v0;
	v1 =	vmul.f32 v15, v3;
	v3 =	vmul.f32 v10, v9  }
0x111: {  	v9 =	vld [tilespmem:$0x85D0]  }
0x112: {  	v0 =	vadd.f32 v1, v0;
	v1 =	vmul.f32 v13, v3;
	v3 =	vmul.f32 v8, v7;
	_ =	sdelay $0x1  }
0x113: {  	v0 =	vadd.f32 v1, v0;
	v1 =	vmul.f32 v11, v3;
	v3 =	vmul.f32 v6, v5  }
0x114: {  	v4 =	vld.idx.msk [tilespmem:v4+s15+$0x0], $0xffff  }
0x115: {  	v0 =	vadd.f32 v1, v0;
	v1 =	vmul.f32 v9, v3;
	v3 =	vld [tilespmem:$0x1FFE0];
	_ =	sdelay $0x1  }
0x116: {  	v7 =	vld [tilespmem:$0x85E0];
	_ =	sdelay $0x2  }
0x117: {  	v3 =	vmul.f32 v4, v3  }
0x118: {  	v2 =	vld.idx.msk [tilespmem:v2+s15+$0x0], $0xffff  }
0x119: {  	v0 =	vadd.f32 v1, v0;
	v1 =	vmul.f32 v7, v3;
	v3 =	vld [tilespmem:$0x1FFD0];
	_ =	sdelay $0x4  }
0x11a: {  	v3 =	vmul.f32 v2, v3;
	v2 =	vld [tilespmem:$0x1FFF0]  }
0x11b: {  	v6 =	vld [tilespmem:$0x85F0];
	_ =	sdelay $0x1  }
0x11c: {  	v5 =	vmov s2  }
0x11d: {  	v4 =	vshll.u32 v5, $0x5  }
0x11e: {  	v44 =	vor.u32 v2, v4  }
0x11f: {  	v0 =	vadd.f32 v1, v0;
	v1 =	vmul.f32 v6, v3;
	v2 =	vor.u32 $0x1F, v44  }
0x120: {  	v6 =	vor.u32 $0x1D, v44  }
0x121: {  	v0 =	vadd.f32 v1, v0;
	v8 =	vor.u32 $0x1C, v44  }
0x122: {  	s0 =	sadd.s32 $0x10, s0;
	v10 =	vor.u32 $0x1B, v44  }
0x123: {  	[tilespmem:s0+$0x0] =	vst v0;
	v12 =	vor.u32 $0x1A, v44  }
0x124: {  	v14 =	vor.u32 $0x19, v44;
	v0 =	vld.idx.msk [tilespmem:v2+s14+$0x0], $0xffff  }
0x125: {  	v16 =	vor.u32 $0x18, v44;
	v5 =	vld.idx.msk [tilespmem:v6+s14+$0x0], $0xffff  }
0x126: {  	v18 =	vor.u32 $0x17, v44;
	v7 =	vld.idx.msk [tilespmem:v8+s14+$0x0], $0xffff  }
0x127: {  	v20 =	vor.u32 $0x16, v44;
	v9 =	vld.idx.msk [tilespmem:v10+s14+$0x0], $0xffff  }
0x128: {  	v22 =	vor.u32 $0x15, v44;
	v11 =	vld.idx.msk [tilespmem:v12+s14+$0x0], $0xffff  }
0x129: {  	v24 =	vor.u32 $0x14, v44;
	v13 =	vld.idx.msk [tilespmem:v14+s14+$0x0], $0xffff  }
0x12a: {  	v26 =	vor.u32 $0x13, v44;
	v15 =	vld.idx.msk [tilespmem:v16+s14+$0x0], $0xffff  }
0x12b: {  	v28 =	vor.u32 $0x12, v44;
	v17 =	vld.idx.msk [tilespmem:v18+s14+$0x0], $0xffff  }
0x12c: {  	v30 =	vor.u32 $0x11, v44;
	v19 =	vld.idx.msk [tilespmem:v20+s14+$0x0], $0xffff  }
0x12d: {  	v32 =	vor.u32 $0x10, v44;
	v21 =	vld.idx.msk [tilespmem:v22+s14+$0x0], $0xffff  }
0x12e: {  	v34 =	vor.u32 $0xF, v44;
	v23 =	vld.idx.msk [tilespmem:v24+s14+$0x0], $0xffff  }
0x12f: {  	v36 =	vor.u32 $0xE, v44;
	v25 =	vld.idx.msk [tilespmem:v26+s14+$0x0], $0xffff  }
0x130: {  	v38 =	vor.u32 $0xD, v44;
	v27 =	vld.idx.msk [tilespmem:v28+s14+$0x0], $0xffff  }
0x131: {  	v40 =	vor.u32 $0xC, v44;
	v29 =	vld.idx.msk [tilespmem:v30+s14+$0x0], $0xffff  }
0x132: {  	v4 =	vor.u32 $0x1E, v44;
	v31 =	vld.idx.msk [tilespmem:v32+s14+$0x0], $0xffff  }
0x133: {  	v42 =	vor.u32 $0xB, v44;
	v33 =	vld.idx.msk [tilespmem:v34+s14+$0x0], $0xffff  }
0x134: {  	v45 =	vor.u32 $0xA, v44;
	v35 =	vld.idx.msk [tilespmem:v36+s14+$0x0], $0xffff  }
0x135: {  	v47 =	vor.u32 $0x9, v44;
	v37 =	vld.idx.msk [tilespmem:v38+s14+$0x0], $0xffff  }
0x136: {  	v49 =	vor.u32 $0x8, v44;
	v39 =	vld.idx.msk [tilespmem:v40+s14+$0x0], $0xffff  }
0x137: {  	p0 =	sne.s32 s2, $0x1F0;
	v51 =	vor.u32 $0x7, v44;
	[tilespmem:$0x1FFD0] =	vst v0;
	v0 =	vld.idx.msk [tilespmem:v4+s14+$0x0], $0xffff  }
.Ltmp0:
0x138: {  	v41 =	vld.idx.msk [tilespmem:v42+s14+$0x0], $0xffff;
	(pc) =	sbr.rel @p0 .LBB2_2-.Ltmp0, $4  }
0x139: {  	v43 =	vld.idx.msk [tilespmem:v45+s14+$0x0], $0xffff  }
0x13a: {  	v46 =	vld.idx.msk [tilespmem:v47+s14+$0x0], $0xffff  }
0x13b: {  	v52 =	vor.u32 $0x6, v44;
	v53 =	vor.u32 $0x5, v44;
	v48 =	vld.idx.msk [tilespmem:v49+s14+$0x0], $0xffff  }
0x13c: {  	s2 =	sadd.s32 $0x10, s2;
	v54 =	vor.u32 $0x4, v44;
	v55 =	vor.u32 $0x3, v44;
	v56 =	vor.u32 $0x2, v44;
	v50 =	vld.idx.msk [tilespmem:v51+s14+$0x0], $0xffff;
	[tilespmem:$0x1FFE0] =	vst v0  }
0x13d: {  	_ =	sdelay $0x3  }
0x13e: {  	v0 =	vld.idx.msk [tilespmem:v52+s14+$0x0], $0xffff  }
0x13f: {  	v1 =	vld.idx.msk [tilespmem:v53+s14+$0x0], $0xffff  }
0x140: {  	v57 =	vld.idx.msk [tilespmem:v55+s14+$0x0], $0xffff  }
0x141: {  	v3 =	vor.u32 $0x1, v44;
	v58 =	vld.idx.msk [tilespmem:v56+s14+$0x0], $0xffff  }
0x142: {  	v59 =	vld.idx.msk [tilespmem:v44+s15+$0x0], $0xffff  }
0x143: {  	v44 =	vld.idx.msk [tilespmem:v44+s14+$0x0], $0xffff  }
0x144: {  	v61 =	vld [tilespmem:$0x8400]  }
0x145: {  	v56 =	vld.idx.msk [tilespmem:v56+s15+$0x0], $0xffff  }
0x146: {  	v60 =	vld.idx.msk [tilespmem:v3+s14+$0x0], $0xffff  }
0x147: {  	v3 =	vld.idx.msk [tilespmem:v3+s15+$0x0], $0xffff  }
0x148: {  	v55 =	vld.idx.msk [tilespmem:v55+s15+$0x0], $0xffff  }
0x149: {  	v62 =	vld [tilespmem:$0x8410]  }
0x14a: {  	v63 =	vld [tilespmem:$0x8420];
	v44 =	vmul.f32 v59, v44  }
0x14b: {  	v59 =	vld.idx.msk [tilespmem:v54+s14+$0x0], $0xffff  }
0x14c: {  	v54 =	vld.idx.msk [tilespmem:v54+s15+$0x0], $0xffff;
	v44 =	vmul.f32 v61, v44;
	v3 =	vmul.f32 v3, v60  }
0x14d: {  	v60 =	vld [tilespmem:$0x8430]  }
0x14e: {  	v53 =	vld.idx.msk [tilespmem:v53+s15+$0x0], $0xffff;
	v56 =	vmul.f32 v56, v58;
	v44 =	vadd.f32 $0.0e+00, v44;
	v3 =	vmul.f32 v62, v3  }
0x14f: {  	v58 =	vld [tilespmem:$0x8440]  }
0x150: {  	v52 =	vld.idx.msk [tilespmem:v52+s15+$0x0], $0xffff;
	v55 =	vmul.f32 v55, v57;
	v63 =	vmul.f32 v63, v56;
	v3 =	vadd.f32 v3, v44  }
0x151: {  	v56 =	vld [tilespmem:$0x8450]  }
0x152: {  	v51 =	vld.idx.msk [tilespmem:v51+s15+$0x0], $0xffff;
	v54 =	vmul.f32 v54, v59;
	v61 =	vmul.f32 v60, v55;
	v3 =	vadd.f32 v63, v3  }
0x153: {  	v62 =	vld [tilespmem:$0x8460]  }
0x154: {  	v49 =	vld.idx.msk [tilespmem:v49+s15+$0x0], $0xffff;
	v1 =	vmul.f32 v53, v1;
	v63 =	vmul.f32 v58, v54;
	v3 =	vadd.f32 v61, v3  }
0x155: {  	v57 =	vld [tilespmem:$0x8470]  }
0x156: {  	v0 =	vmul.f32 v52, v0;
	v59 =	vld [tilespmem:$0x8480];
	v1 =	vmul.f32 v56, v1;
	v3 =	vadd.f32 v63, v3  }
0x157: {  	v58 =	vld.idx.msk [tilespmem:v47+s15+$0x0], $0xffff  }
0x158: {  	v45 =	vld.idx.msk [tilespmem:v45+s15+$0x0], $0xffff;
	v0 =	vmul.f32 v62, v0;
	v1 =	vadd.f32 v1, v3;
	v3 =	vmul.f32 v51, v50  }
0x159: {  	v60 =	vld [tilespmem:$0x8490]  }
0x15a: {  	v42 =	vld.idx.msk [tilespmem:v42+s15+$0x0], $0xffff;
	v0 =	vadd.f32 v0, v1;
	v1 =	vmul.f32 v57, v3;
	v3 =	vmul.f32 v49, v48  }
0x15b: {  	v61 =	vld [tilespmem:$0x84A0]  }
0x15c: {  	v40 =	vld.idx.msk [tilespmem:v40+s15+$0x0], $0xffff;
	v0 =	vadd.f32 v1, v0;
	v1 =	vmul.f32 v59, v3;
	v3 =	vmul.f32 v58, v46  }
0x15d: {  	v62 =	vld [tilespmem:$0x84B0]  }
0x15e: {  	v38 =	vld.idx.msk [tilespmem:v38+s15+$0x0], $0xffff;
	v0 =	vadd.f32 v1, v0;
	v1 =	vmul.f32 v60, v3;
	v3 =	vmul.f32 v45, v43  }
0x15f: {  	v63 =	vld [tilespmem:$0x84C0]  }
0x160: {  	v36 =	vld.idx.msk [tilespmem:v36+s15+$0x0], $0xffff;
	v0 =	vadd.f32 v1, v0;
	v1 =	vmul.f32 v61, v3;
	v3 =	vmul.f32 v42, v41  }
0x161: {  	v45 =	vld [tilespmem:$0x84D0]  }
0x162: {  	v34 =	vld.idx.msk [tilespmem:v34+s15+$0x0], $0xffff;
	v0 =	vadd.f32 v1, v0;
	v1 =	vmul.f32 v62, v3;
	v3 =	vmul.f32 v40, v39  }
0x163: {  	v46 =	vld [tilespmem:$0x84E0]  }
0x164: {  	v32 =	vld.idx.msk [tilespmem:v32+s15+$0x0], $0xffff;
	v0 =	vadd.f32 v1, v0;
	v1 =	vmul.f32 v63, v3;
	v3 =	vmul.f32 v38, v37  }
0x165: {  	v47 =	vld [tilespmem:$0x84F0]  }
0x166: {  	v30 =	vld.idx.msk [tilespmem:v30+s15+$0x0], $0xffff;
	v0 =	vadd.f32 v1, v0;
	v1 =	vmul.f32 v45, v3;
	v3 =	vmul.f32 v36, v35  }
0x167: {  	v48 =	vld [tilespmem:$0x8500]  }
0x168: {  	v28 =	vld.idx.msk [tilespmem:v28+s15+$0x0], $0xffff;
	v0 =	vadd.f32 v1, v0;
	v1 =	vmul.f32 v46, v3;
	v3 =	vmul.f32 v34, v33  }
0x169: {  	v49 =	vld [tilespmem:$0x8510]  }
0x16a: {  	v26 =	vld.idx.msk [tilespmem:v26+s15+$0x0], $0xffff;
	v0 =	vadd.f32 v1, v0;
	v1 =	vmul.f32 v47, v3;
	v3 =	vmul.f32 v32, v31  }
0x16b: {  	v50 =	vld [tilespmem:$0x8520]  }
0x16c: {  	v24 =	vld.idx.msk [tilespmem:v24+s15+$0x0], $0xffff;
	v0 =	vadd.f32 v1, v0;
	v1 =	vmul.f32 v48, v3;
	v3 =	vmul.f32 v30, v29  }
0x16d: {  	v51 =	vld [tilespmem:$0x8530]  }
0x16e: {  	v22 =	vld.idx.msk [tilespmem:v22+s15+$0x0], $0xffff;
	v0 =	vadd.f32 v1, v0;
	v1 =	vmul.f32 v49, v3;
	v3 =	vmul.f32 v28, v27  }
0x16f: {  	v52 =	vld [tilespmem:$0x8540]  }
0x170: {  	v20 =	vld.idx.msk [tilespmem:v20+s15+$0x0], $0xffff;
	v0 =	vadd.f32 v1, v0;
	v1 =	vmul.f32 v50, v3;
	v3 =	vmul.f32 v26, v25  }
0x171: {  	v53 =	vld [tilespmem:$0x8550]  }
0x172: {  	v18 =	vld.idx.msk [tilespmem:v18+s15+$0x0], $0xffff;
	v0 =	vadd.f32 v1, v0;
	v1 =	vmul.f32 v51, v3;
	v3 =	vmul.f32 v24, v23  }
0x173: {  	v54 =	vld [tilespmem:$0x8560]  }
0x174: {  	v16 =	vld.idx.msk [tilespmem:v16+s15+$0x0], $0xffff;
	v0 =	vadd.f32 v1, v0;
	v1 =	vmul.f32 v52, v3;
	v3 =	vmul.f32 v22, v21  }
0x175: {  	v55 =	vld [tilespmem:$0x8570]  }
0x176: {  	v14 =	vld.idx.msk [tilespmem:v14+s15+$0x0], $0xffff;
	v0 =	vadd.f32 v1, v0;
	v1 =	vmul.f32 v53, v3;
	v3 =	vmul.f32 v20, v19  }
0x177: {  	v56 =	vld [tilespmem:$0x8580]  }
0x178: {  	v12 =	vld.idx.msk [tilespmem:v12+s15+$0x0], $0xffff;
	v0 =	vadd.f32 v1, v0;
	v1 =	vmul.f32 v54, v3;
	v3 =	vmul.f32 v18, v17  }
0x179: {  	v57 =	vld [tilespmem:$0x8590]  }
0x17a: {  	v10 =	vld.idx.msk [tilespmem:v10+s15+$0x0], $0xffff;
	v0 =	vadd.f32 v1, v0;
	v1 =	vmul.f32 v55, v3;
	v3 =	vmul.f32 v16, v15  }
0x17b: {  	v58 =	vld [tilespmem:$0x85A0]  }
0x17c: {  	v8 =	vld.idx.msk [tilespmem:v8+s15+$0x0], $0xffff;
	v0 =	vadd.f32 v1, v0;
	v1 =	vmul.f32 v56, v3;
	v3 =	vmul.f32 v14, v13  }
0x17d: {  	v59 =	vld [tilespmem:$0x85B0]  }
0x17e: {  	v6 =	vld.idx.msk [tilespmem:v6+s15+$0x0], $0xffff;
	v0 =	vadd.f32 v1, v0;
	v1 =	vmul.f32 v57, v3;
	v3 =	vmul.f32 v12, v11  }
0x17f: {  	v60 =	vld [tilespmem:$0x85C0]  }
0x180: {  	v0 =	vadd.f32 v1, v0;
	v1 =	vmul.f32 v58, v3;
	v3 =	vmul.f32 v10, v9  }
0x181: {  	v61 =	vld [tilespmem:$0x85D0]  }
0x182: {  	v0 =	vadd.f32 v1, v0;
	v1 =	vmul.f32 v59, v3;
	v3 =	vmul.f32 v8, v7;
	_ =	sdelay $0x1  }
0x183: {  	v0 =	vadd.f32 v1, v0;
	v1 =	vmul.f32 v60, v3;
	v3 =	vmul.f32 v6, v5  }
0x184: {  	v4 =	vld.idx.msk [tilespmem:v4+s15+$0x0], $0xffff  }
0x185: {  	v0 =	vadd.f32 v1, v0;
	v1 =	vmul.f32 v61, v3;
	v3 =	vld [tilespmem:$0x1FFE0];
	_ =	sdelay $0x1  }
0x186: {  	v62 =	vld [tilespmem:$0x85E0];
	_ =	sdelay $0x2  }
0x187: {  	v3 =	vmul.f32 v4, v3  }
0x188: {  	v2 =	vld.idx.msk [tilespmem:v2+s15+$0x0], $0xffff  }
0x189: {  	v0 =	vadd.f32 v1, v0;
	v1 =	vmul.f32 v62, v3;
	v3 =	vld [tilespmem:$0x1FFD0];
	_ =	sdelay $0x1  }
0x18a: {  	v63 =	vld [tilespmem:$0x85F0];
	_ =	sdelay $0x2  }
0x18b: {  	v2 =	vmul.f32 v2, v3;
	_ =	sdelay $0x1  }
0x18c: {  	v0 =	vadd.f32 v1, v0;
	v1 =	vmul.f32 v63, v2;
	_ =	sdelay $0x1  }
0x18d: {  	s31 =	sadd.s32 $0x1, s31;
	v0 =	vadd.f32 v1, v0  }
0x18e: {  	s0 =	sadd.s32 $0x10, s0;
	p0 =	sne.s32 s31, s9  }
.Ltmp1:
0x18f: {  	[tilespmem:s0+$0x0] =	vst v0;
	(pc) =	sbr.rel @p0 .LBB2_1-.Ltmp1, $4  }
0x190: {  	[hbm4b:s8+s1] =	stream.linear.scatter [tilespmem:s30], [sflag:$0x3], $0x200, $0x38;
	[tilespmem:$0x8800] =	vst v63  }
0x191: {  	_ =	swait.ge [sflag:s10], $0x200  }
0x192: {  	[sflag:s10] =	ssyncset.done $0x0  }
0x193: {  	v0 =	vld [tilespmem:$0x1FFF0];
	[sflag:s10] =	ssyncadd.s32 $0xFFFFFE00  }
0x194: {  	_ =	sfence.sel $0x180000  }
0x195: {  	[bflag:$0x0] =	sbarrier.arrive $0xFFFF  }
0x196: {  	_ =	strace $0x90000047  }
0x197: {  	s0 =	stileid.u32;
	[bflag:$0x2] =	sbarrier.arrive $0xFFFF  }
0x198: {  	p0 =	sne.s32 s0, $0x0;
	s0 =	rddreg [dreg:$0x4]  }
0x199: {  	s0 =	sadd.s32 @!p0 $0x100000, s0  }
0x19a: {  	[sflag:s0] =	ssyncadd.tile.s32 @!p0 $0x1;
	_ =	shalt  }
.Lfunc_end2:
_tile_overlayer_lowered:
.L_overlay_start_2:
0x19b: {  	(tag) =	ssettag $0x2  }
0x19c: {  	s0 =	rddreg [dreg:$0x0];
	s2 =	stileid.u32  }
0x19d: {  	s1 =	rddreg [dreg:$0x1];
	p0 =	sne.s32 s2, $0x0  }
0x19e: {  	s3 =	rddreg [dreg:$0x2];
	[bflag:$0x3] =	sbarrier.arrive $0xFFFF;
	s2 =	simm.s32 @!p0 $0x1C03  }
0x19f: {  	[timem:s3], [sflag:s2] =	dma.local @!p0 [hbm:s0], s1  }
0x1a0: {  	s0 =	simm.s32 @!p0 $0x3  }
0x1a1: {  	_ =	swait.ge @!p0 [sflag:s0], s1  }
0x1a2: {  	s1 =	ssub.s32 @!p0 $0x0, s1;
	[sflag:s0] =	ssyncset.done @!p0 $0x0  }
0x1a3: {  	[sflag:s0] =	ssyncadd.s32 @!p0 s1  }
0x1a4: {  	[bflag:$0x3] =	sbarrier.arrive $0xFFFF  }
0x1a5: {  	_ =	shalt  }

</sc_bundles>
